<compile_context>
chip_gen: v7x
topology: tpu7x:2x2x1
jax: 0.10.2.dev20260603
libtpu: 0.0.44.dev20260713+nightly
codegen_flags: <defaults>
</compile_context>

<pallas_src>
import functools

import jax
import jax.numpy as jnp
from jax import lax
from jax.experimental import pallas as pl
from jax.experimental.pallas import tpu as pltpu
from jax.experimental.pallas import tpu_sc as plsc

B = 16384 * 50
D = 64
V = 10000
NC, NS = 2, 16
NW = NC * NS
PT = B // NW
CH = 128
GPC = 4
GROUP = CH * GPC
NG = PT // GROUP
NCH = PT // CH

_mesh = plsc.VectorSubcoreMesh(core_axis_name="c", subcore_axis_name="s")


@functools.partial(
    pl.kernel,
    out_type=jax.ShapeDtypeStruct((B, D), jnp.float32),
    mesh=_mesh,
    scratch_types=[
        pltpu.VMEM((2, GPC, CH), jnp.int32),
        pltpu.VMEM((GROUP, D), jnp.float32),
        pltpu.VMEM((GROUP, D), jnp.float32),
        pltpu.VMEM_SHARED((V, D), jnp.float32),
        pltpu.SemaphoreType.DMA,
        pltpu.SemaphoreType.DMA,
        pltpu.SemaphoreType.DMA,
        pltpu.SemaphoreType.DMA,
        pltpu.SemaphoreType.DMA,
    ],
    compiler_params=pltpu.CompilerParams(use_tc_tiling_on_sc=False),
)
def _gather_kernel(ids_hbm, table_hbm, out_hbm, idx_v, rows0, rows1,
                   table_sh, sem_g, sem_o0, sem_o1, sem_i0, sem_i1):
    wid = lax.axis_index("s") * NC + lax.axis_index("c")
    sid = lax.axis_index("s")
    rows = (rows0, rows1)
    sem_o = (sem_o0, sem_o1)
    sem_i = (sem_i0, sem_i1)

    tchunk = V // NS
    pltpu.sync_copy(
        table_hbm.at[pl.ds(sid * tchunk, tchunk)],
        table_sh.at[pl.ds(sid * tchunk, tchunk)],
    )
    pltpu.async_copy(ids_hbm.at[pl.ds(wid * NCH, GPC)], idx_v.at[0], sem_i0)
    plsc.subcore_barrier()

    def body(i, carry):
        for p in range(2):
            g = 2 * i + p

            pltpu.make_async_copy(
                ids_hbm.at[pl.ds(0, GPC)], idx_v.at[p], sem_i[p]
            ).wait()

            @pl.when(g + 1 < NG)
            def _():
                pltpu.async_copy(
                    ids_hbm.at[pl.ds(wid * NCH + (g + 1) * GPC, GPC)],
                    idx_v.at[(p + 1) % 2],
                    sem_i[(p + 1) % 2],
                )

            @pl.when(i >= 1)
            def _():
                pltpu.make_async_copy(
                    rows[p], out_hbm.at[pl.ds(0, GROUP)], sem_o[p]
                ).wait()

            copies = []
            for u in range(GPC):
                copies.append(
                    pltpu.async_copy(
                        table_sh.at[idx_v.at[p].at[u]],
                        rows[p].at[pl.ds(u * CH, CH)],
                        sem_g,
                    )
                )
            for c in copies:
                c.wait()
            base = wid * PT + g * GROUP
            pltpu.async_copy(rows[p], out_hbm.at[pl.ds(base, GROUP)], sem_o[p])
        return carry

    lax.fori_loop(0, NG // 2, body, 0)
    for p in range(2):
        pltpu.make_async_copy(
            rows[p], out_hbm.at[pl.ds(0, GROUP)], sem_o[p]
        ).wait()


def kernel(location_ids, embedding_table):
    ids = location_ids.reshape(B // CH, CH)
    out = _gather_kernel(ids, embedding_table)
    return out.reshape(location_ids.shape + (D,))

# --- scband reference (transcript-rebuilt; emitter-appended) ---
"""Pipeline reference for scband-location-embedding-27315992003161 (READ-ONLY COPY).

The authoritative reference and input builder live on the scoring server;
editing this copy changes nothing except your own understanding.
"""

import jax, jax.numpy as jnp
import numpy as np


def setup_inputs(seed: int = 0) -> dict:
    key = jax.random.key(seed)
    k_idx, k_tab = jax.random.split(key)
    location_ids = jax.random.randint(k_idx, (16384, 50), 0, 10000, dtype=jnp.int64 if jax.config.jax_enable_x64 else jnp.int32)
    embedding_table = jax.random.normal(k_tab, (10000, 64), dtype=jnp.float32)
    return {"location_ids": location_ids, "embedding_table": embedding_table}


def reference(location_ids, embedding_table):
    # nn.Embedding lookup: gather rows of the table by index
    return jnp.take(embedding_table, location_ids, axis=0)

if __name__ == "__main__":
    import jax
    _d = setup_inputs()
    print(jax.jit(kernel)(*tuple(_d.values())))

</pallas_src>

<mosaic_0001>
#map = affine_map<(d0, d1) -> (0, 0)>
module attributes {stable_mosaic.version = 14 : i64} {
  func.func @_gather_kernel(%arg0: i32, %arg1: i32, %arg2: memref<6400x128xi32, #tpu.memory_space<hbm>>, %arg3: memref<10000x64xf32, #tpu.memory_space<hbm>>, %arg4: memref<819200x64xf32, #tpu.memory_space<hbm>>, %arg5: memref<2x4x128xi32, #tpu.memory_space<vmem>>, %arg6: memref<512x64xf32, #tpu.memory_space<vmem>>, %arg7: memref<512x64xf32, #tpu.memory_space<vmem>>, %arg8: memref<10000x64xf32, #tpu.memory_space<vmem_shared>>, %arg9: memref<!tpu.dma_semaphore, #tpu.memory_space<semaphore_mem>>, %arg10: memref<!tpu.dma_semaphore, #tpu.memory_space<semaphore_mem>>, %arg11: memref<!tpu.dma_semaphore, #tpu.memory_space<semaphore_mem>>, %arg12: memref<!tpu.dma_semaphore, #tpu.memory_space<semaphore_mem>>, %arg13: memref<!tpu.dma_semaphore, #tpu.memory_space<semaphore_mem>>) attributes {dimension_semantics = [#tpu.dimension_semantics<core_parallel>, #tpu.dimension_semantics<subcore_parallel>], iteration_bounds = array<i64: 2, 16>, scalar_prefetch = 0 : i64, scratch_operands = 9 : i64, tpu.core_type = #tpu.core_type<sc_vector_subcore>, window_params = [{transform_indices = #map}, {transform_indices = #map}, {transform_indices = #map}]} {
    %mul3A = arith.constant 2 : i32
    %mul3A_0 = arith.muli %arg1, %mul3A : i32
    %add3A = arith.addi %mul3A_0, %arg0 : i32
    %mul3A_1 = arith.constant 625 : i32
    %mul3A_2 = arith.muli %arg1, %mul3A_1 : i32
    %mul3A_3 = arith.constant 625 : i32
    %mul3A_4 = arith.muli %arg1, %mul3A_3 : i32
    "tpu.region"() ({
      %run_scoped3A = tpu.sem_alloc : memref<!tpu.dma_semaphore, #tpu.memory_space<semaphore_mem>>
      %dma_start3A_35 = arith.constant 0 : i32
      %dma_start3A_36 = tpu.memref_slice %arg8[%mul3A_4, %dma_start3A_35] : memref<10000x64xf32, #tpu.memory_space<vmem_shared>> -> memref<625x64xf32, #tpu.memory_space<vmem_shared>>
      %dma_start3A_37 = arith.constant 0 : i32
      %dma_start3A_38 = tpu.memref_slice %arg3[%mul3A_2, %dma_start3A_37] : memref<10000x64xf32, #tpu.memory_space<hbm>> -> memref<625x64xf32, #tpu.memory_space<hbm>>
      tpu.enqueue_dma source(%dma_start3A_38 : memref<625x64xf32, #tpu.memory_space<hbm>>) target(%dma_start3A_36 : memref<625x64xf32, #tpu.memory_space<vmem_shared>>) target_semaphore(%run_scoped3A : memref<!tpu.dma_semaphore, #tpu.memory_space<semaphore_mem>>)
      %dma_wait3A_39 = arith.constant 0 : i32
      %dma_wait3A_40 = tpu.memref_slice %arg8[%mul3A_4, %dma_wait3A_39] : memref<10000x64xf32, #tpu.memory_space<vmem_shared>> -> memref<625x64xf32, #tpu.memory_space<vmem_shared>>
      %dma_wait3A_41 = arith.constant 0 : i32
      %dma_wait3A_42 = tpu.memref_slice %arg3[%mul3A_2, %dma_wait3A_41] : memref<10000x64xf32, #tpu.memory_space<hbm>> -> memref<625x64xf32, #tpu.memory_space<hbm>>
      tpu.wait_dma2 semaphore(%run_scoped3A : memref<!tpu.dma_semaphore, #tpu.memory_space<semaphore_mem>>) src(%dma_wait3A_42 : memref<625x64xf32, #tpu.memory_space<hbm>>) dst(%dma_wait3A_40 : memref<625x64xf32, #tpu.memory_space<vmem_shared>>)
      tpu.yield
    }) : () -> ()
    %mul3A_5 = arith.constant 200 : i32
    %mul3A_6 = arith.muli %add3A, %mul3A_5 : i32
    %dma_start3A = arith.constant 0 : i32
    %dma_start3A_7 = arith.constant 0 : i32
    %dma_start3A_8 = arith.constant 0 : i32
    %dma_start3A_9 = tpu.memref_slice %arg5[%dma_start3A, %dma_start3A_7, %dma_start3A_8] : memref<2x4x128xi32, #tpu.memory_space<vmem>> -> memref<1x4x128xi32, #tpu.memory_space<vmem>>
    %dma_start3A_10 = tpu.memref_squeeze %dma_start3A_9 : memref<1x4x128xi32, #tpu.memory_space<vmem>> -> memref<4x128xi32, #tpu.memory_space<vmem>>
    %dma_start3A_11 = arith.constant 0 : i32
    %dma_start3A_12 = tpu.memref_slice %arg2[%mul3A_6, %dma_start3A_11] : memref<6400x128xi32, #tpu.memory_space<hbm>> -> memref<4x128xi32, #tpu.memory_space<hbm>>
    %dma_start3A_13 = arith.constant 0 : i32
    %dma_start3A_14 = arith.constant 0 : i32
    %dma_start3A_15 = tpu.memref_slice %arg5[%dma_start3A, %dma_start3A_13, %dma_start3A_14] : memref<2x4x128xi32, #tpu.memory_space<vmem>> -> memref<1x4x128xi32, #tpu.memory_space<vmem>>
    %dma_start3A_16 = tpu.memref_squeeze %dma_start3A_15 : memref<1x4x128xi32, #tpu.memory_space<vmem>> -> memref<4x128xi32, #tpu.memory_space<vmem>>
    %dma_start3A_17 = arith.constant 0 : i32
    %dma_start3A_18 = tpu.memref_slice %arg2[%mul3A_6, %dma_start3A_17] : memref<6400x128xi32, #tpu.memory_space<hbm>> -> memref<4x128xi32, #tpu.memory_space<hbm>>
    tpu.enqueue_dma source(%dma_start3A_18 : memref<4x128xi32, #tpu.memory_space<hbm>>) target(%dma_start3A_16 : memref<4x128xi32, #tpu.memory_space<vmem>>) target_semaphore(%arg12 : memref<!tpu.dma_semaphore, #tpu.memory_space<semaphore_mem>>)
    %barrier3A = arith.constant 0 : index
    tpu.barrier barrier_id(%barrier3A)
    %scan3A = arith.constant 0 : i32
    %scan3A_19 = arith.constant 0 : i32
    %scan3A_20 = arith.constant 25 : i32
    %scan3A_21 = arith.addi %scan3A_19, %scan3A_20 : i32
    %scan3A_22 = arith.constant 1 : i32
    scf.for %scan3A_35 = %scan3A_19 to %scan3A_21 step %scan3A_22  : i32 {
      %mul3A_36 = arith.constant 2 : i32
      %mul3A_37 = arith.muli %mul3A_36, %scan3A_35 : i32
      %add3A_38 = arith.constant 0 : i32
      %add3A_39 = arith.addi %mul3A_37, %add3A_38 : i32
      %dma_wait3A_40 = arith.constant 0 : i32
      %dma_wait3A_41 = arith.constant 0 : i32
      %dma_wait3A_42 = arith.constant 0 : i32
      %dma_wait3A_43 = tpu.memref_slice %arg5[%dma_wait3A_40, %dma_wait3A_41, %dma_wait3A_42] : memref<2x4x128xi32, #tpu.memory_space<vmem>> -> memref<1x4x128xi32, #tpu.memory_space<vmem>>
      %dma_wait3A_44 = tpu.memref_squeeze %dma_wait3A_43 : memref<1x4x128xi32, #tpu.memory_space<vmem>> -> memref<4x128xi32, #tpu.memory_space<vmem>>
      %dma_wait3A_45 = arith.constant 0 : i32
      %dma_wait3A_46 = arith.constant 0 : i32
      %dma_wait3A_47 = tpu.memref_slice %arg2[%dma_wait3A_45, %dma_wait3A_46] : memref<6400x128xi32, #tpu.memory_space<hbm>> -> memref<4x128xi32, #tpu.memory_space<hbm>>
      %dma_wait3A_48 = arith.constant 0 : i32
      %dma_wait3A_49 = arith.constant 0 : i32
      %dma_wait3A_50 = tpu.memref_slice %arg5[%dma_wait3A_40, %dma_wait3A_48, %dma_wait3A_49] : memref<2x4x128xi32, #tpu.memory_space<vmem>> -> memref<1x4x128xi32, #tpu.memory_space<vmem>>
      %dma_wait3A_51 = tpu.memref_squeeze %dma_wait3A_50 : memref<1x4x128xi32, #tpu.memory_space<vmem>> -> memref<4x128xi32, #tpu.memory_space<vmem>>
      %dma_wait3A_52 = arith.constant 0 : i32
      %dma_wait3A_53 = arith.constant 0 : i32
      %dma_wait3A_54 = tpu.memref_slice %arg2[%dma_wait3A_52, %dma_wait3A_53] : memref<6400x128xi32, #tpu.memory_space<hbm>> -> memref<4x128xi32, #tpu.memory_space<hbm>>
      tpu.wait_dma2 semaphore(%arg12 : memref<!tpu.dma_semaphore, #tpu.memory_space<semaphore_mem>>) src(%dma_wait3A_54 : memref<4x128xi32, #tpu.memory_space<hbm>>) dst(%dma_wait3A_51 : memref<4x128xi32, #tpu.memory_space<vmem>>)
      %add3A_55 = arith.constant 1 : i32
      %add3A_56 = arith.addi %add3A_39, %add3A_55 : i32
      %lt3A = arith.constant 50 : i32
      %lt3A_57 = arith.cmpi slt, %add3A_56, %lt3A : i32
      %convert_element_type3A = arith.extui %lt3A_57 : i1 to i32
      %cond3A = arith.constant 0 : i32
      %cond3A_58 = arith.cmpi ne, %convert_element_type3A, %cond3A : i32
      scf.if %cond3A_58 {
        %mul3A_352 = arith.constant 200 : i32
        %mul3A_353 = arith.muli %add3A, %mul3A_352 : i32
        %add3A_354 = arith.constant 1 : i32
        %add3A_355 = arith.addi %add3A_39, %add3A_354 : i32
        %mul3A_356 = arith.constant 4 : i32
        %mul3A_357 = arith.muli %add3A_355, %mul3A_356 : i32
        %add3A_358 = arith.addi %mul3A_353, %mul3A_357 : i32
        %dma_start3A_359 = arith.constant 1 : i32
        %dma_start3A_360 = arith.constant 0 : i32
        %dma_start3A_361 = arith.constant 0 : i32
        %dma_start3A_362 = tpu.memref_slice %arg5[%dma_start3A_359, %dma_start3A_360, %dma_start3A_361] : memref<2x4x128xi32, #tpu.memory_space<vmem>> -> memref<1x4x128xi32, #tpu.memory_space<vmem>>
        %dma_start3A_363 = tpu.memref_squeeze %dma_start3A_362 : memref<1x4x128xi32, #tpu.memory_space<vmem>> -> memref<4x128xi32, #tpu.memory_space<vmem>>
        %dma_start3A_364 = arith.constant 0 : i32
        %dma_start3A_365 = tpu.memref_slice %arg2[%add3A_358, %dma_start3A_364] : memref<6400x128xi32, #tpu.memory_space<hbm>> -> memref<4x128xi32, #tpu.memory_space<hbm>>
        %dma_start3A_366 = arith.constant 0 : i32
        %dma_start3A_367 = arith.constant 0 : i32
        %dma_start3A_368 = tpu.memref_slice %arg5[%dma_start3A_359, %dma_start3A_366, %dma_start3A_367] : memref<2x4x128xi32, #tpu.memory_space<vmem>> -> memref<1x4x128xi32, #tpu.memory_space<vmem>>
        %dma_start3A_369 = tpu.memref_squeeze %dma_start3A_368 : memref<1x4x128xi32, #tpu.memory_space<vmem>> -> memref<4x128xi32, #tpu.memory_space<vmem>>
        %dma_start3A_370 = arith.constant 0 : i32
        %dma_start3A_371 = tpu.memref_slice %arg2[%add3A_358, %dma_start3A_370] : memref<6400x128xi32, #tpu.memory_space<hbm>> -> memref<4x128xi32, #tpu.memory_space<hbm>>
        tpu.enqueue_dma source(%dma_start3A_371 : memref<4x128xi32, #tpu.memory_space<hbm>>) target(%dma_start3A_369 : memref<4x128xi32, #tpu.memory_space<vmem>>) target_semaphore(%arg13 : memref<!tpu.dma_semaphore, #tpu.memory_space<semaphore_mem>>)
      } else {
      }
      %ge3A = arith.constant 1 : i32
      %ge3A_59 = arith.cmpi sge, %scan3A_35, %ge3A : i32
      %convert_element_type3A_60 = arith.extui %ge3A_59 : i1 to i32
      %cond3A_61 = arith.constant 0 : i32
      %cond3A_62 = arith.cmpi ne, %convert_element_type3A_60, %cond3A_61 : i32
      scf.if %cond3A_62 {
        %dma_wait3A_352 = arith.constant 0 : i32
        %dma_wait3A_353 = arith.constant 0 : i32
        %dma_wait3A_354 = tpu.memref_slice %arg4[%dma_wait3A_352, %dma_wait3A_353] : memref<819200x64xf32, #tpu.memory_space<hbm>> -> memref<512x64xf32, #tpu.memory_space<hbm>>
        %dma_wait3A_355 = arith.constant 0 : i32
        %dma_wait3A_356 = arith.constant 0 : i32
        %dma_wait3A_357 = tpu.memref_slice %arg4[%dma_wait3A_355, %dma_wait3A_356] : memref<819200x64xf32, #tpu.memory_space<hbm>> -> memref<512x64xf32, #tpu.memory_space<hbm>>
        tpu.wait_dma2 semaphore(%arg10 : memref<!tpu.dma_semaphore, #tpu.memory_space<semaphore_mem>>) src(%arg6 : memref<512x64xf32, #tpu.memory_space<vmem>>) dst(%dma_wait3A_357 : memref<512x64xf32, #tpu.memory_space<hbm>>)
      } else {
      }
      %dma_start3A_63 = arith.constant 0 : i32
      %dma_start3A_64 = arith.constant 0 : i32
      %dma_start3A_65 = arith.constant 0 : i32
      %dma_start3A_66 = arith.constant 0 : i32
      %dma_start3A_67 = tpu.memref_slice %arg6[%dma_start3A_65, %dma_start3A_66] : memref<512x64xf32, #tpu.memory_space<vmem>> -> memref<128x64xf32, #tpu.memory_space<vmem>>
      %dma_start3A_68 = arith.constant 0 : i32
      %dma_start3A_69 = arith.constant 0 : i32
      %dma_start3A_70 = tpu.memref_slice %arg5[%dma_start3A_63, %dma_start3A_68, %dma_start3A_69] : memref<2x4x128xi32, #tpu.memory_space<vmem>> -> memref<1x4x128xi32, #tpu.memory_space<vmem>>
      %dma_start3A_71 = tpu.memref_squeeze %dma_start3A_70 : memref<1x4x128xi32, #tpu.memory_space<vmem>> -> memref<4x128xi32, #tpu.memory_space<vmem>>
      %dma_start3A_72 = arith.constant 0 : i32
      %dma_start3A_73 = tpu.memref_slice %dma_start3A_71[%dma_start3A_64, %dma_start3A_72] : memref<4x128xi32, #tpu.memory_space<vmem>> -> memref<1x128xi32, #tpu.memory_space<vmem>>
      %dma_start3A_74 = tpu.memref_squeeze %dma_start3A_73 : memref<1x128xi32, #tpu.memory_space<vmem>> -> memref<128xi32, #tpu.memory_space<vmem>>
      %dma_start3A_75 = arith.constant 0 : i32
      %dma_start3A_76 = arith.constant 0 : i32
      %dma_start3A_77 = tpu.memref_slice %arg8[%dma_start3A_75, %dma_start3A_76] : memref<10000x64xf32, #tpu.memory_space<vmem_shared>> -> memref<10000x64xf32, #tpu.memory_space<vmem_shared>>
      tpu.enqueue_indirect_dma source(%dma_start3A_77 : memref<10000x64xf32, #tpu.memory_space<vmem_shared>>) target(%dma_start3A_67 : memref<128x64xf32, #tpu.memory_space<vmem>>) offsets(%dma_start3A_74 : memref<128xi32, #tpu.memory_space<vmem>>) semaphore(%arg9 : memref<!tpu.dma_semaphore, #tpu.memory_space<semaphore_mem>>)
      %dma_start3A_78 = arith.constant 0 : i32
      %dma_start3A_79 = arith.constant 1 : i32
      %dma_start3A_80 = arith.constant 128 : i32
      %dma_start3A_81 = arith.constant 0 : i32
      %dma_start3A_82 = tpu.memref_slice %arg6[%dma_start3A_80, %dma_start3A_81] : memref<512x64xf32, #tpu.memory_space<vmem>> -> memref<128x64xf32, #tpu.memory_space<vmem>>
      %dma_start3A_83 = arith.constant 0 : i32
      %dma_start3A_84 = arith.constant 0 : i32
      %dma_start3A_85 = tpu.memref_slice %arg5[%dma_start3A_78, %dma_start3A_83, %dma_start3A_84] : memref<2x4x128xi32, #tpu.memory_space<vmem>> -> memref<1x4x128xi32, #tpu.memory_space<vmem>>
      %dma_start3A_86 = tpu.memref_squeeze %dma_start3A_85 : memref<1x4x128xi32, #tpu.memory_space<vmem>> -> memref<4x128xi32, #tpu.memory_space<vmem>>
      %dma_start3A_87 = arith.constant 0 : i32
      %dma_start3A_88 = tpu.memref_slice %dma_start3A_86[%dma_start3A_79, %dma_start3A_87] : memref<4x128xi32, #tpu.memory_space<vmem>> -> memref<1x128xi32, #tpu.memory_space<vmem>>
      %dma_start3A_89 = tpu.memref_squeeze %dma_start3A_88 : memref<1x128xi32, #tpu.memory_space<vmem>> -> memref<128xi32, #tpu.memory_space<vmem>>
      %dma_start3A_90 = arith.constant 0 : i32
      %dma_start3A_91 = arith.constant 0 : i32
      %dma_start3A_92 = tpu.memref_slice %arg8[%dma_start3A_90, %dma_start3A_91] : memref<10000x64xf32, #tpu.memory_space<vmem_shared>> -> memref<10000x64xf32, #tpu.memory_space<vmem_shared>>
      tpu.enqueue_indirect_dma source(%dma_start3A_92 : memref<10000x64xf32, #tpu.memory_space<vmem_shared>>) target(%dma_start3A_82 : memref<128x64xf32, #tpu.memory_space<vmem>>) offsets(%dma_start3A_89 : memref<128xi32, #tpu.memory_space<vmem>>) semaphore(%arg9 : memref<!tpu.dma_semaphore, #tpu.memory_space<semaphore_mem>>)
      %dma_start3A_93 = arith.constant 0 : i32
      %dma_start3A_94 = arith.constant 2 : i32
      %dma_start3A_95 = arith.constant 256 : i32
      %dma_start3A_96 = arith.constant 0 : i32
      %dma_start3A_97 = tpu.memref_slice %arg6[%dma_start3A_95, %dma_start3A_96] : memref<512x64xf32, #tpu.memory_space<vmem>> -> memref<128x64xf32, #tpu.memory_space<vmem>>
      %dma_start3A_98 = arith.constant 0 : i32
      %dma_start3A_99 = arith.constant 0 : i32
      %dma_start3A_100 = tpu.memref_slice %arg5[%dma_start3A_93, %dma_start3A_98, %dma_start3A_99] : memref<2x4x128xi32, #tpu.memory_space<vmem>> -> memref<1x4x128xi32, #tpu.memory_space<vmem>>
      %dma_start3A_101 = tpu.memref_squeeze %dma_start3A_100 : memref<1x4x128xi32, #tpu.memory_space<vmem>> -> memref<4x128xi32, #tpu.memory_space<vmem>>
      %dma_start3A_102 = arith.constant 0 : i32
      %dma_start3A_103 = tpu.memref_slice %dma_start3A_101[%dma_start3A_94, %dma_start3A_102] : memref<4x128xi32, #tpu.memory_space<vmem>> -> memref<1x128xi32, #tpu.memory_space<vmem>>
      %dma_start3A_104 = tpu.memref_squeeze %dma_start3A_103 : memref<1x128xi32, #tpu.memory_space<vmem>> -> memref<128xi32, #tpu.memory_space<vmem>>
      %dma_start3A_105 = arith.constant 0 : i32
      %dma_start3A_106 = arith.constant 0 : i32
      %dma_start3A_107 = tpu.memref_slice %arg8[%dma_start3A_105, %dma_start3A_106] : memref<10000x64xf32, #tpu.memory_space<vmem_shared>> -> memref<10000x64xf32, #tpu.memory_space<vmem_shared>>
      tpu.enqueue_indirect_dma source(%dma_start3A_107 : memref<10000x64xf32, #tpu.memory_space<vmem_shared>>) target(%dma_start3A_97 : memref<128x64xf32, #tpu.memory_space<vmem>>) offsets(%dma_start3A_104 : memref<128xi32, #tpu.memory_space<vmem>>) semaphore(%arg9 : memref<!tpu.dma_semaphore, #tpu.memory_space<semaphore_mem>>)
      %dma_start3A_108 = arith.constant 0 : i32
      %dma_start3A_109 = arith.constant 3 : i32
      %dma_start3A_110 = arith.constant 384 : i32
      %dma_start3A_111 = arith.constant 0 : i32
      %dma_start3A_112 = tpu.memref_slice %arg6[%dma_start3A_110, %dma_start3A_111] : memref<512x64xf32, #tpu.memory_space<vmem>> -> memref<128x64xf32, #tpu.memory_space<vmem>>
      %dma_start3A_113 = arith.constant 0 : i32
      %dma_start3A_114 = arith.constant 0 : i32
      %dma_start3A_115 = tpu.memref_slice %arg5[%dma_start3A_108, %dma_start3A_113, %dma_start3A_114] : memref<2x4x128xi32, #tpu.memory_space<vmem>> -> memref<1x4x128xi32, #tpu.memory_space<vmem>>
      %dma_start3A_116 = tpu.memref_squeeze %dma_start3A_115 : memref<1x4x128xi32, #tpu.memory_space<vmem>> -> memref<4x128xi32, #tpu.memory_space<vmem>>
      %dma_start3A_117 = arith.constant 0 : i32
      %dma_start3A_118 = tpu.memref_slice %dma_start3A_116[%dma_start3A_109, %dma_start3A_117] : memref<4x128xi32, #tpu.memory_space<vmem>> -> memref<1x128xi32, #tpu.memory_space<vmem>>
      %dma_start3A_119 = tpu.memref_squeeze %dma_start3A_118 : memref<1x128xi32, #tpu.memory_space<vmem>> -> memref<128xi32, #tpu.memory_space<vmem>>
      %dma_start3A_120 = arith.constant 0 : i32
      %dma_start3A_121 = arith.constant 0 : i32
      %dma_start3A_122 = tpu.memref_slice %arg8[%dma_start3A_120, %dma_start3A_121] : memref<10000x64xf32, #tpu.memory_space<vmem_shared>> -> memref<10000x64xf32, #tpu.memory_space<vmem_shared>>
      tpu.enqueue_indirect_dma source(%dma_start3A_122 : memref<10000x64xf32, #tpu.memory_space<vmem_shared>>) target(%dma_start3A_112 : memref<128x64xf32, #tpu.memory_space<vmem>>) offsets(%dma_start3A_119 : memref<128xi32, #tpu.memory_space<vmem>>) semaphore(%arg9 : memref<!tpu.dma_semaphore, #tpu.memory_space<semaphore_mem>>)
      %dma_wait3A_123 = arith.constant 0 : i32
      %dma_wait3A_124 = arith.constant 0 : i32
      %dma_wait3A_125 = arith.constant 0 : i32
      %dma_wait3A_126 = arith.constant 0 : i32
      %dma_wait3A_127 = tpu.memref_slice %arg6[%dma_wait3A_125, %dma_wait3A_126] : memref<512x64xf32, #tpu.memory_space<vmem>> -> memref<128x64xf32, #tpu.memory_space<vmem>>
      %dma_wait3A_128 = arith.constant 0 : i32
      %dma_wait3A_129 = arith.constant 0 : i32
      %dma_wait3A_130 = tpu.memref_slice %arg5[%dma_wait3A_123, %dma_wait3A_128, %dma_wait3A_129] : memref<2x4x128xi32, #tpu.memory_space<vmem>> -> memref<1x4x128xi32, #tpu.memory_space<vmem>>
      %dma_wait3A_131 = tpu.memref_squeeze %dma_wait3A_130 : memref<1x4x128xi32, #tpu.memory_space<vmem>> -> memref<4x128xi32, #tpu.memory_space<vmem>>
      %dma_wait3A_132 = arith.constant 0 : i32
      %dma_wait3A_133 = tpu.memref_slice %dma_wait3A_131[%dma_wait3A_124, %dma_wait3A_132] : memref<4x128xi32, #tpu.memory_space<vmem>> -> memref<1x128xi32, #tpu.memory_space<vmem>>
      %dma_wait3A_134 = tpu.memref_squeeze %dma_wait3A_133 : memref<1x128xi32, #tpu.memory_space<vmem>> -> memref<128xi32, #tpu.memory_space<vmem>>
      %dma_wait3A_135 = arith.constant 0 : i32
      %dma_wait3A_136 = arith.constant 0 : i32
      %dma_wait3A_137 = tpu.memref_slice %arg8[%dma_wait3A_135, %dma_wait3A_136] : memref<10000x64xf32, #tpu.memory_space<vmem_shared>> -> memref<10000x64xf32, #tpu.memory_space<vmem_shared>>
      tpu.wait_indirect_dma semaphore(%arg9 : memref<!tpu.dma_semaphore, #tpu.memory_space<semaphore_mem>>) src(%dma_wait3A_137 : memref<10000x64xf32, #tpu.memory_space<vmem_shared>>) dst(%dma_wait3A_127 : memref<128x64xf32, #tpu.memory_space<vmem>>)
      %dma_wait3A_138 = arith.constant 0 : i32
      %dma_wait3A_139 = arith.constant 1 : i32
      %dma_wait3A_140 = arith.constant 128 : i32
      %dma_wait3A_141 = arith.constant 0 : i32
      %dma_wait3A_142 = tpu.memref_slice %arg6[%dma_wait3A_140, %dma_wait3A_141] : memref<512x64xf32, #tpu.memory_space<vmem>> -> memref<128x64xf32, #tpu.memory_space<vmem>>
      %dma_wait3A_143 = arith.constant 0 : i32
      %dma_wait3A_144 = arith.constant 0 : i32
      %dma_wait3A_145 = tpu.memref_slice %arg5[%dma_wait3A_138, %dma_wait3A_143, %dma_wait3A_144] : memref<2x4x128xi32, #tpu.memory_space<vmem>> -> memref<1x4x128xi32, #tpu.memory_space<vmem>>
      %dma_wait3A_146 = tpu.memref_squeeze %dma_wait3A_145 : memref<1x4x128xi32, #tpu.memory_space<vmem>> -> memref<4x128xi32, #tpu.memory_space<vmem>>
      %dma_wait3A_147 = arith.constant 0 : i32
      %dma_wait3A_148 = tpu.memref_slice %dma_wait3A_146[%dma_wait3A_139, %dma_wait3A_147] : memref<4x128xi32, #tpu.memory_space<vmem>> -> memref<1x128xi32, #tpu.memory_space<vmem>>
      %dma_wait3A_149 = tpu.memref_squeeze %dma_wait3A_148 : memref<1x128xi32, #tpu.memory_space<vmem>> -> memref<128xi32, #tpu.memory_space<vmem>>
      %dma_wait3A_150 = arith.constant 0 : i32
      %dma_wait3A_151 = arith.constant 0 : i32
      %dma_wait3A_152 = tpu.memref_slice %arg8[%dma_wait3A_150, %dma_wait3A_151] : memref<10000x64xf32, #tpu.memory_space<vmem_shared>> -> memref<10000x64xf32, #tpu.memory_space<vmem_shared>>
      tpu.wait_indirect_dma semaphore(%arg9 : memref<!tpu.dma_semaphore, #tpu.memory_space<semaphore_mem>>) src(%dma_wait3A_152 : memref<10000x64xf32, #tpu.memory_space<vmem_shared>>) dst(%dma_wait3A_142 : memref<128x64xf32, #tpu.memory_space<vmem>>)
      %dma_wait3A_153 = arith.constant 0 : i32
      %dma_wait3A_154 = arith.constant 2 : i32
      %dma_wait3A_155 = arith.constant 256 : i32
      %dma_wait3A_156 = arith.constant 0 : i32
      %dma_wait3A_157 = tpu.memref_slice %arg6[%dma_wait3A_155, %dma_wait3A_156] : memref<512x64xf32, #tpu.memory_space<vmem>> -> memref<128x64xf32, #tpu.memory_space<vmem>>
      %dma_wait3A_158 = arith.constant 0 : i32
      %dma_wait3A_159 = arith.constant 0 : i32
      %dma_wait3A_160 = tpu.memref_slice %arg5[%dma_wait3A_153, %dma_wait3A_158, %dma_wait3A_159] : memref<2x4x128xi32, #tpu.memory_space<vmem>> -> memref<1x4x128xi32, #tpu.memory_space<vmem>>
      %dma_wait3A_161 = tpu.memref_squeeze %dma_wait3A_160 : memref<1x4x128xi32, #tpu.memory_space<vmem>> -> memref<4x128xi32, #tpu.memory_space<vmem>>
      %dma_wait3A_162 = arith.constant 0 : i32
      %dma_wait3A_163 = tpu.memref_slice %dma_wait3A_161[%dma_wait3A_154, %dma_wait3A_162] : memref<4x128xi32, #tpu.memory_space<vmem>> -> memref<1x128xi32, #tpu.memory_space<vmem>>
      %dma_wait3A_164 = tpu.memref_squeeze %dma_wait3A_163 : memref<1x128xi32, #tpu.memory_space<vmem>> -> memref<128xi32, #tpu.memory_space<vmem>>
      %dma_wait3A_165 = arith.constant 0 : i32
      %dma_wait3A_166 = arith.constant 0 : i32
      %dma_wait3A_167 = tpu.memref_slice %arg8[%dma_wait3A_165, %dma_wait3A_166] : memref<10000x64xf32, #tpu.memory_space<vmem_shared>> -> memref<10000x64xf32, #tpu.memory_space<vmem_shared>>
      tpu.wait_indirect_dma semaphore(%arg9 : memref<!tpu.dma_semaphore, #tpu.memory_space<semaphore_mem>>) src(%dma_wait3A_167 : memref<10000x64xf32, #tpu.memory_space<vmem_shared>>) dst(%dma_wait3A_157 : memref<128x64xf32, #tpu.memory_space<vmem>>)
      %dma_wait3A_168 = arith.constant 0 : i32
      %dma_wait3A_169 = arith.constant 3 : i32
      %dma_wait3A_170 = arith.constant 384 : i32
      %dma_wait3A_171 = arith.constant 0 : i32
      %dma_wait3A_172 = tpu.memref_slice %arg6[%dma_wait3A_170, %dma_wait3A_171] : memref<512x64xf32, #tpu.memory_space<vmem>> -> memref<128x64xf32, #tpu.memory_space<vmem>>
      %dma_wait3A_173 = arith.constant 0 : i32
      %dma_wait3A_174 = arith.constant 0 : i32
      %dma_wait3A_175 = tpu.memref_slice %arg5[%dma_wait3A_168, %dma_wait3A_173, %dma_wait3A_174] : memref<2x4x128xi32, #tpu.memory_space<vmem>> -> memref<1x4x128xi32, #tpu.memory_space<vmem>>
      %dma_wait3A_176 = tpu.memref_squeeze %dma_wait3A_175 : memref<1x4x128xi32, #tpu.memory_space<vmem>> -> memref<4x128xi32, #tpu.memory_space<vmem>>
      %dma_wait3A_177 = arith.constant 0 : i32
      %dma_wait3A_178 = tpu.memref_slice %dma_wait3A_176[%dma_wait3A_169, %dma_wait3A_177] : memref<4x128xi32, #tpu.memory_space<vmem>> -> memref<1x128xi32, #tpu.memory_space<vmem>>
      %dma_wait3A_179 = tpu.memref_squeeze %dma_wait3A_178 : memref<1x128xi32, #tpu.memory_space<vmem>> -> memref<128xi32, #tpu.memory_space<vmem>>
      %dma_wait3A_180 = arith.constant 0 : i32
      %dma_wait3A_181 = arith.constant 0 : i32
      %dma_wait3A_182 = tpu.memref_slice %arg8[%dma_wait3A_180, %dma_wait3A_181] : memref<10000x64xf32, #tpu.memory_space<vmem_shared>> -> memref<10000x64xf32, #tpu.memory_space<vmem_shared>>
      tpu.wait_indirect_dma semaphore(%arg9 : memref<!tpu.dma_semaphore, #tpu.memory_space<semaphore_mem>>) src(%dma_wait3A_182 : memref<10000x64xf32, #tpu.memory_space<vmem_shared>>) dst(%dma_wait3A_172 : memref<128x64xf32, #tpu.memory_space<vmem>>)
      %mul3A_183 = arith.constant 25600 : i32
      %mul3A_184 = arith.muli %add3A, %mul3A_183 : i32
      %mul3A_185 = arith.constant 512 : i32
      %mul3A_186 = arith.muli %add3A_39, %mul3A_185 : i32
      %add3A_187 = arith.addi %mul3A_184, %mul3A_186 : i32
      %dma_start3A_188 = arith.constant 0 : i32
      %dma_start3A_189 = tpu.memref_slice %arg4[%add3A_187, %dma_start3A_188] : memref<819200x64xf32, #tpu.memory_space<hbm>> -> memref<512x64xf32, #tpu.memory_space<hbm>>
      %dma_start3A_190 = arith.constant 0 : i32
      %dma_start3A_191 = tpu.memref_slice %arg4[%add3A_187, %dma_start3A_190] : memref<819200x64xf32, #tpu.memory_space<hbm>> -> memref<512x64xf32, #tpu.memory_space<hbm>>
      tpu.enqueue_dma source(%arg6 : memref<512x64xf32, #tpu.memory_space<vmem>>) target(%dma_start3A_191 : memref<512x64xf32, #tpu.memory_space<hbm>>) target_semaphore(%arg10 : memref<!tpu.dma_semaphore, #tpu.memory_space<semaphore_mem>>)
      %mul3A_192 = arith.constant 2 : i32
      %mul3A_193 = arith.muli %mul3A_192, %scan3A_35 : i32
      %add3A_194 = arith.constant 1 : i32
      %add3A_195 = arith.addi %mul3A_193, %add3A_194 : i32
      %dma_wait3A_196 = arith.constant 1 : i32
      %dma_wait3A_197 = arith.constant 0 : i32
      %dma_wait3A_198 = arith.constant 0 : i32
      %dma_wait3A_199 = tpu.memref_slice %arg5[%dma_wait3A_196, %dma_wait3A_197, %dma_wait3A_198] : memref<2x4x128xi32, #tpu.memory_space<vmem>> -> memref<1x4x128xi32, #tpu.memory_space<vmem>>
      %dma_wait3A_200 = tpu.memref_squeeze %dma_wait3A_199 : memref<1x4x128xi32, #tpu.memory_space<vmem>> -> memref<4x128xi32, #tpu.memory_space<vmem>>
      %dma_wait3A_201 = arith.constant 0 : i32
      %dma_wait3A_202 = arith.constant 0 : i32
      %dma_wait3A_203 = tpu.memref_slice %arg2[%dma_wait3A_201, %dma_wait3A_202] : memref<6400x128xi32, #tpu.memory_space<hbm>> -> memref<4x128xi32, #tpu.memory_space<hbm>>
      %dma_wait3A_204 = arith.constant 0 : i32
      %dma_wait3A_205 = arith.constant 0 : i32
      %dma_wait3A_206 = tpu.memref_slice %arg5[%dma_wait3A_196, %dma_wait3A_204, %dma_wait3A_205] : memref<2x4x128xi32, #tpu.memory_space<vmem>> -> memref<1x4x128xi32, #tpu.memory_space<vmem>>
      %dma_wait3A_207 = tpu.memref_squeeze %dma_wait3A_206 : memref<1x4x128xi32, #tpu.memory_space<vmem>> -> memref<4x128xi32, #tpu.memory_space<vmem>>
      %dma_wait3A_208 = arith.constant 0 : i32
      %dma_wait3A_209 = arith.constant 0 : i32
      %dma_wait3A_210 = tpu.memref_slice %arg2[%dma_wait3A_208, %dma_wait3A_209] : memref<6400x128xi32, #tpu.memory_space<hbm>> -> memref<4x128xi32, #tpu.memory_space<hbm>>
      tpu.wait_dma2 semaphore(%arg13 : memref<!tpu.dma_semaphore, #tpu.memory_space<semaphore_mem>>) src(%dma_wait3A_210 : memref<4x128xi32, #tpu.memory_space<hbm>>) dst(%dma_wait3A_207 : memref<4x128xi32, #tpu.memory_space<vmem>>)
      %add3A_211 = arith.constant 1 : i32
      %add3A_212 = arith.addi %add3A_195, %add3A_211 : i32
      %lt3A_213 = arith.constant 50 : i32
      %lt3A_214 = arith.cmpi slt, %add3A_212, %lt3A_213 : i32
      %convert_element_type3A_215 = arith.extui %lt3A_214 : i1 to i32
      %cond3A_216 = arith.constant 0 : i32
      %cond3A_217 = arith.cmpi ne, %convert_element_type3A_215, %cond3A_216 : i32
      scf.if %cond3A_217 {
        %mul3A_352 = arith.constant 200 : i32
        %mul3A_353 = arith.muli %add3A, %mul3A_352 : i32
        %add3A_354 = arith.constant 1 : i32
        %add3A_355 = arith.addi %add3A_195, %add3A_354 : i32
        %mul3A_356 = arith.constant 4 : i32
        %mul3A_357 = arith.muli %add3A_355, %mul3A_356 : i32
        %add3A_358 = arith.addi %mul3A_353, %mul3A_357 : i32
        %dma_start3A_359 = arith.constant 0 : i32
        %dma_start3A_360 = arith.constant 0 : i32
        %dma_start3A_361 = arith.constant 0 : i32
        %dma_start3A_362 = tpu.memref_slice %arg5[%dma_start3A_359, %dma_start3A_360, %dma_start3A_361] : memref<2x4x128xi32, #tpu.memory_space<vmem>> -> memref<1x4x128xi32, #tpu.memory_space<vmem>>
        %dma_start3A_363 = tpu.memref_squeeze %dma_start3A_362 : memref<1x4x128xi32, #tpu.memory_space<vmem>> -> memref<4x128xi32, #tpu.memory_space<vmem>>
        %dma_start3A_364 = arith.constant 0 : i32
        %dma_start3A_365 = tpu.memref_slice %arg2[%add3A_358, %dma_start3A_364] : memref<6400x128xi32, #tpu.memory_space<hbm>> -> memref<4x128xi32, #tpu.memory_space<hbm>>
        %dma_start3A_366 = arith.constant 0 : i32
        %dma_start3A_367 = arith.constant 0 : i32
        %dma_start3A_368 = tpu.memref_slice %arg5[%dma_start3A_359, %dma_start3A_366, %dma_start3A_367] : memref<2x4x128xi32, #tpu.memory_space<vmem>> -> memref<1x4x128xi32, #tpu.memory_space<vmem>>
        %dma_start3A_369 = tpu.memref_squeeze %dma_start3A_368 : memref<1x4x128xi32, #tpu.memory_space<vmem>> -> memref<4x128xi32, #tpu.memory_space<vmem>>
        %dma_start3A_370 = arith.constant 0 : i32
        %dma_start3A_371 = tpu.memref_slice %arg2[%add3A_358, %dma_start3A_370] : memref<6400x128xi32, #tpu.memory_space<hbm>> -> memref<4x128xi32, #tpu.memory_space<hbm>>
        tpu.enqueue_dma source(%dma_start3A_371 : memref<4x128xi32, #tpu.memory_space<hbm>>) target(%dma_start3A_369 : memref<4x128xi32, #tpu.memory_space<vmem>>) target_semaphore(%arg12 : memref<!tpu.dma_semaphore, #tpu.memory_space<semaphore_mem>>)
      } else {
      }
      %ge3A_218 = arith.constant 1 : i32
      %ge3A_219 = arith.cmpi sge, %scan3A_35, %ge3A_218 : i32
      %convert_element_type3A_220 = arith.extui %ge3A_219 : i1 to i32
      %cond3A_221 = arith.constant 0 : i32
      %cond3A_222 = arith.cmpi ne, %convert_element_type3A_220, %cond3A_221 : i32
      scf.if %cond3A_222 {
        %dma_wait3A_352 = arith.constant 0 : i32
        %dma_wait3A_353 = arith.constant 0 : i32
        %dma_wait3A_354 = tpu.memref_slice %arg4[%dma_wait3A_352, %dma_wait3A_353] : memref<819200x64xf32, #tpu.memory_space<hbm>> -> memref<512x64xf32, #tpu.memory_space<hbm>>
        %dma_wait3A_355 = arith.constant 0 : i32
        %dma_wait3A_356 = arith.constant 0 : i32
        %dma_wait3A_357 = tpu.memref_slice %arg4[%dma_wait3A_355, %dma_wait3A_356] : memref<819200x64xf32, #tpu.memory_space<hbm>> -> memref<512x64xf32, #tpu.memory_space<hbm>>
        tpu.wait_dma2 semaphore(%arg11 : memref<!tpu.dma_semaphore, #tpu.memory_space<semaphore_mem>>) src(%arg7 : memref<512x64xf32, #tpu.memory_space<vmem>>) dst(%dma_wait3A_357 : memref<512x64xf32, #tpu.memory_space<hbm>>)
      } else {
      }
      %dma_start3A_223 = arith.constant 1 : i32
      %dma_start3A_224 = arith.constant 0 : i32
      %dma_start3A_225 = arith.constant 0 : i32
      %dma_start3A_226 = arith.constant 0 : i32
      %dma_start3A_227 = tpu.memref_slice %arg7[%dma_start3A_225, %dma_start3A_226] : memref<512x64xf32, #tpu.memory_space<vmem>> -> memref<128x64xf32, #tpu.memory_space<vmem>>
      %dma_start3A_228 = arith.constant 0 : i32
      %dma_start3A_229 = arith.constant 0 : i32
      %dma_start3A_230 = tpu.memref_slice %arg5[%dma_start3A_223, %dma_start3A_228, %dma_start3A_229] : memref<2x4x128xi32, #tpu.memory_space<vmem>> -> memref<1x4x128xi32, #tpu.memory_space<vmem>>
      %dma_start3A_231 = tpu.memref_squeeze %dma_start3A_230 : memref<1x4x128xi32, #tpu.memory_space<vmem>> -> memref<4x128xi32, #tpu.memory_space<vmem>>
      %dma_start3A_232 = arith.constant 0 : i32
      %dma_start3A_233 = tpu.memref_slice %dma_start3A_231[%dma_start3A_224, %dma_start3A_232] : memref<4x128xi32, #tpu.memory_space<vmem>> -> memref<1x128xi32, #tpu.memory_space<vmem>>
      %dma_start3A_234 = tpu.memref_squeeze %dma_start3A_233 : memref<1x128xi32, #tpu.memory_space<vmem>> -> memref<128xi32, #tpu.memory_space<vmem>>
      %dma_start3A_235 = arith.constant 0 : i32
      %dma_start3A_236 = arith.constant 0 : i32
      %dma_start3A_237 = tpu.memref_slice %arg8[%dma_start3A_235, %dma_start3A_236] : memref<10000x64xf32, #tpu.memory_space<vmem_shared>> -> memref<10000x64xf32, #tpu.memory_space<vmem_shared>>
      tpu.enqueue_indirect_dma source(%dma_start3A_237 : memref<10000x64xf32, #tpu.memory_space<vmem_shared>>) target(%dma_start3A_227 : memref<128x64xf32, #tpu.memory_space<vmem>>) offsets(%dma_start3A_234 : memref<128xi32, #tpu.memory_space<vmem>>) semaphore(%arg9 : memref<!tpu.dma_semaphore, #tpu.memory_space<semaphore_mem>>)
      %dma_start3A_238 = arith.constant 1 : i32
      %dma_start3A_239 = arith.constant 1 : i32
      %dma_start3A_240 = arith.constant 128 : i32
      %dma_start3A_241 = arith.constant 0 : i32
      %dma_start3A_242 = tpu.memref_slice %arg7[%dma_start3A_240, %dma_start3A_241] : memref<512x64xf32, #tpu.memory_space<vmem>> -> memref<128x64xf32, #tpu.memory_space<vmem>>
      %dma_start3A_243 = arith.constant 0 : i32
      %dma_start3A_244 = arith.constant 0 : i32
      %dma_start3A_245 = tpu.memref_slice %arg5[%dma_start3A_238, %dma_start3A_243, %dma_start3A_244] : memref<2x4x128xi32, #tpu.memory_space<vmem>> -> memref<1x4x128xi32, #tpu.memory_space<vmem>>
      %dma_start3A_246 = tpu.memref_squeeze %dma_start3A_245 : memref<1x4x128xi32, #tpu.memory_space<vmem>> -> memref<4x128xi32, #tpu.memory_space<vmem>>
      %dma_start3A_247 = arith.constant 0 : i32
      %dma_start3A_248 = tpu.memref_slice %dma_start3A_246[%dma_start3A_239, %dma_start3A_247] : memref<4x128xi32, #tpu.memory_space<vmem>> -> memref<1x128xi32, #tpu.memory_space<vmem>>
      %dma_start3A_249 = tpu.memref_squeeze %dma_start3A_248 : memref<1x128xi32, #tpu.memory_space<vmem>> -> memref<128xi32, #tpu.memory_space<vmem>>
      %dma_start3A_250 = arith.constant 0 : i32
      %dma_start3A_251 = arith.constant 0 : i32
      %dma_start3A_252 = tpu.memref_slice %arg8[%dma_start3A_250, %dma_start3A_251] : memref<10000x64xf32, #tpu.memory_space<vmem_shared>> -> memref<10000x64xf32, #tpu.memory_space<vmem_shared>>
      tpu.enqueue_indirect_dma source(%dma_start3A_252 : memref<10000x64xf32, #tpu.memory_space<vmem_shared>>) target(%dma_start3A_242 : memref<128x64xf32, #tpu.memory_space<vmem>>) offsets(%dma_start3A_249 : memref<128xi32, #tpu.memory_space<vmem>>) semaphore(%arg9 : memref<!tpu.dma_semaphore, #tpu.memory_space<semaphore_mem>>)
      %dma_start3A_253 = arith.constant 1 : i32
      %dma_start3A_254 = arith.constant 2 : i32
      %dma_start3A_255 = arith.constant 256 : i32
      %dma_start3A_256 = arith.constant 0 : i32
      %dma_start3A_257 = tpu.memref_slice %arg7[%dma_start3A_255, %dma_start3A_256] : memref<512x64xf32, #tpu.memory_space<vmem>> -> memref<128x64xf32, #tpu.memory_space<vmem>>
      %dma_start3A_258 = arith.constant 0 : i32
      %dma_start3A_259 = arith.constant 0 : i32
      %dma_start3A_260 = tpu.memref_slice %arg5[%dma_start3A_253, %dma_start3A_258, %dma_start3A_259] : memref<2x4x128xi32, #tpu.memory_space<vmem>> -> memref<1x4x128xi32, #tpu.memory_space<vmem>>
      %dma_start3A_261 = tpu.memref_squeeze %dma_start3A_260 : memref<1x4x128xi32, #tpu.memory_space<vmem>> -> memref<4x128xi32, #tpu.memory_space<vmem>>
      %dma_start3A_262 = arith.constant 0 : i32
      %dma_start3A_263 = tpu.memref_slice %dma_start3A_261[%dma_start3A_254, %dma_start3A_262] : memref<4x128xi32, #tpu.memory_space<vmem>> -> memref<1x128xi32, #tpu.memory_space<vmem>>
      %dma_start3A_264 = tpu.memref_squeeze %dma_start3A_263 : memref<1x128xi32, #tpu.memory_space<vmem>> -> memref<128xi32, #tpu.memory_space<vmem>>
      %dma_start3A_265 = arith.constant 0 : i32
      %dma_start3A_266 = arith.constant 0 : i32
      %dma_start3A_267 = tpu.memref_slice %arg8[%dma_start3A_265, %dma_start3A_266] : memref<10000x64xf32, #tpu.memory_space<vmem_shared>> -> memref<10000x64xf32, #tpu.memory_space<vmem_shared>>
      tpu.enqueue_indirect_dma source(%dma_start3A_267 : memref<10000x64xf32, #tpu.memory_space<vmem_shared>>) target(%dma_start3A_257 : memref<128x64xf32, #tpu.memory_space<vmem>>) offsets(%dma_start3A_264 : memref<128xi32, #tpu.memory_space<vmem>>) semaphore(%arg9 : memref<!tpu.dma_semaphore, #tpu.memory_space<semaphore_mem>>)
      %dma_start3A_268 = arith.constant 1 : i32
      %dma_start3A_269 = arith.constant 3 : i32
      %dma_start3A_270 = arith.constant 384 : i32
      %dma_start3A_271 = arith.constant 0 : i32
      %dma_start3A_272 = tpu.memref_slice %arg7[%dma_start3A_270, %dma_start3A_271] : memref<512x64xf32, #tpu.memory_space<vmem>> -> memref<128x64xf32, #tpu.memory_space<vmem>>
      %dma_start3A_273 = arith.constant 0 : i32
      %dma_start3A_274 = arith.constant 0 : i32
      %dma_start3A_275 = tpu.memref_slice %arg5[%dma_start3A_268, %dma_start3A_273, %dma_start3A_274] : memref<2x4x128xi32, #tpu.memory_space<vmem>> -> memref<1x4x128xi32, #tpu.memory_space<vmem>>
      %dma_start3A_276 = tpu.memref_squeeze %dma_start3A_275 : memref<1x4x128xi32, #tpu.memory_space<vmem>> -> memref<4x128xi32, #tpu.memory_space<vmem>>
      %dma_start3A_277 = arith.constant 0 : i32
      %dma_start3A_278 = tpu.memref_slice %dma_start3A_276[%dma_start3A_269, %dma_start3A_277] : memref<4x128xi32, #tpu.memory_space<vmem>> -> memref<1x128xi32, #tpu.memory_space<vmem>>
      %dma_start3A_279 = tpu.memref_squeeze %dma_start3A_278 : memref<1x128xi32, #tpu.memory_space<vmem>> -> memref<128xi32, #tpu.memory_space<vmem>>
      %dma_start3A_280 = arith.constant 0 : i32
      %dma_start3A_281 = arith.constant 0 : i32
      %dma_start3A_282 = tpu.memref_slice %arg8[%dma_start3A_280, %dma_start3A_281] : memref<10000x64xf32, #tpu.memory_space<vmem_shared>> -> memref<10000x64xf32, #tpu.memory_space<vmem_shared>>
      tpu.enqueue_indirect_dma source(%dma_start3A_282 : memref<10000x64xf32, #tpu.memory_space<vmem_shared>>) target(%dma_start3A_272 : memref<128x64xf32, #tpu.memory_space<vmem>>) offsets(%dma_start3A_279 : memref<128xi32, #tpu.memory_space<vmem>>) semaphore(%arg9 : memref<!tpu.dma_semaphore, #tpu.memory_space<semaphore_mem>>)
      %dma_wait3A_283 = arith.constant 1 : i32
      %dma_wait3A_284 = arith.constant 0 : i32
      %dma_wait3A_285 = arith.constant 0 : i32
      %dma_wait3A_286 = arith.constant 0 : i32
      %dma_wait3A_287 = tpu.memref_slice %arg7[%dma_wait3A_285, %dma_wait3A_286] : memref<512x64xf32, #tpu.memory_space<vmem>> -> memref<128x64xf32, #tpu.memory_space<vmem>>
      %dma_wait3A_288 = arith.constant 0 : i32
      %dma_wait3A_289 = arith.constant 0 : i32
      %dma_wait3A_290 = tpu.memref_slice %arg5[%dma_wait3A_283, %dma_wait3A_288, %dma_wait3A_289] : memref<2x4x128xi32, #tpu.memory_space<vmem>> -> memref<1x4x128xi32, #tpu.memory_space<vmem>>
      %dma_wait3A_291 = tpu.memref_squeeze %dma_wait3A_290 : memref<1x4x128xi32, #tpu.memory_space<vmem>> -> memref<4x128xi32, #tpu.memory_space<vmem>>
      %dma_wait3A_292 = arith.constant 0 : i32
      %dma_wait3A_293 = tpu.memref_slice %dma_wait3A_291[%dma_wait3A_284, %dma_wait3A_292] : memref<4x128xi32, #tpu.memory_space<vmem>> -> memref<1x128xi32, #tpu.memory_space<vmem>>
      %dma_wait3A_294 = tpu.memref_squeeze %dma_wait3A_293 : memref<1x128xi32, #tpu.memory_space<vmem>> -> memref<128xi32, #tpu.memory_space<vmem>>
      %dma_wait3A_295 = arith.constant 0 : i32
      %dma_wait3A_296 = arith.constant 0 : i32
      %dma_wait3A_297 = tpu.memref_slice %arg8[%dma_wait3A_295, %dma_wait3A_296] : memref<10000x64xf32, #tpu.memory_space<vmem_shared>> -> memref<10000x64xf32, #tpu.memory_space<vmem_shared>>
      tpu.wait_indirect_dma semaphore(%arg9 : memref<!tpu.dma_semaphore, #tpu.memory_space<semaphore_mem>>) src(%dma_wait3A_297 : memref<10000x64xf32, #tpu.memory_space<vmem_shared>>) dst(%dma_wait3A_287 : memref<128x64xf32, #tpu.memory_space<vmem>>)
      %dma_wait3A_298 = arith.constant 1 : i32
      %dma_wait3A_299 = arith.constant 1 : i32
      %dma_wait3A_300 = arith.constant 128 : i32
      %dma_wait3A_301 = arith.constant 0 : i32
      %dma_wait3A_302 = tpu.memref_slice %arg7[%dma_wait3A_300, %dma_wait3A_301] : memref<512x64xf32, #tpu.memory_space<vmem>> -> memref<128x64xf32, #tpu.memory_space<vmem>>
      %dma_wait3A_303 = arith.constant 0 : i32
      %dma_wait3A_304 = arith.constant 0 : i32
      %dma_wait3A_305 = tpu.memref_slice %arg5[%dma_wait3A_298, %dma_wait3A_303, %dma_wait3A_304] : memref<2x4x128xi32, #tpu.memory_space<vmem>> -> memref<1x4x128xi32, #tpu.memory_space<vmem>>
      %dma_wait3A_306 = tpu.memref_squeeze %dma_wait3A_305 : memref<1x4x128xi32, #tpu.memory_space<vmem>> -> memref<4x128xi32, #tpu.memory_space<vmem>>
      %dma_wait3A_307 = arith.constant 0 : i32
      %dma_wait3A_308 = tpu.memref_slice %dma_wait3A_306[%dma_wait3A_299, %dma_wait3A_307] : memref<4x128xi32, #tpu.memory_space<vmem>> -> memref<1x128xi32, #tpu.memory_space<vmem>>
      %dma_wait3A_309 = tpu.memref_squeeze %dma_wait3A_308 : memref<1x128xi32, #tpu.memory_space<vmem>> -> memref<128xi32, #tpu.memory_space<vmem>>
      %dma_wait3A_310 = arith.constant 0 : i32
      %dma_wait3A_311 = arith.constant 0 : i32
      %dma_wait3A_312 = tpu.memref_slice %arg8[%dma_wait3A_310, %dma_wait3A_311] : memref<10000x64xf32, #tpu.memory_space<vmem_shared>> -> memref<10000x64xf32, #tpu.memory_space<vmem_shared>>
      tpu.wait_indirect_dma semaphore(%arg9 : memref<!tpu.dma_semaphore, #tpu.memory_space<semaphore_mem>>) src(%dma_wait3A_312 : memref<10000x64xf32, #tpu.memory_space<vmem_shared>>) dst(%dma_wait3A_302 : memref<128x64xf32, #tpu.memory_space<vmem>>)
      %dma_wait3A_313 = arith.constant 1 : i32
      %dma_wait3A_314 = arith.constant 2 : i32
      %dma_wait3A_315 = arith.constant 256 : i32
      %dma_wait3A_316 = arith.constant 0 : i32
      %dma_wait3A_317 = tpu.memref_slice %arg7[%dma_wait3A_315, %dma_wait3A_316] : memref<512x64xf32, #tpu.memory_space<vmem>> -> memref<128x64xf32, #tpu.memory_space<vmem>>
      %dma_wait3A_318 = arith.constant 0 : i32
      %dma_wait3A_319 = arith.constant 0 : i32
      %dma_wait3A_320 = tpu.memref_slice %arg5[%dma_wait3A_313, %dma_wait3A_318, %dma_wait3A_319] : memref<2x4x128xi32, #tpu.memory_space<vmem>> -> memref<1x4x128xi32, #tpu.memory_space<vmem>>
      %dma_wait3A_321 = tpu.memref_squeeze %dma_wait3A_320 : memref<1x4x128xi32, #tpu.memory_space<vmem>> -> memref<4x128xi32, #tpu.memory_space<vmem>>
      %dma_wait3A_322 = arith.constant 0 : i32
      %dma_wait3A_323 = tpu.memref_slice %dma_wait3A_321[%dma_wait3A_314, %dma_wait3A_322] : memref<4x128xi32, #tpu.memory_space<vmem>> -> memref<1x128xi32, #tpu.memory_space<vmem>>
      %dma_wait3A_324 = tpu.memref_squeeze %dma_wait3A_323 : memref<1x128xi32, #tpu.memory_space<vmem>> -> memref<128xi32, #tpu.memory_space<vmem>>
      %dma_wait3A_325 = arith.constant 0 : i32
      %dma_wait3A_326 = arith.constant 0 : i32
      %dma_wait3A_327 = tpu.memref_slice %arg8[%dma_wait3A_325, %dma_wait3A_326] : memref<10000x64xf32, #tpu.memory_space<vmem_shared>> -> memref<10000x64xf32, #tpu.memory_space<vmem_shared>>
      tpu.wait_indirect_dma semaphore(%arg9 : memref<!tpu.dma_semaphore, #tpu.memory_space<semaphore_mem>>) src(%dma_wait3A_327 : memref<10000x64xf32, #tpu.memory_space<vmem_shared>>) dst(%dma_wait3A_317 : memref<128x64xf32, #tpu.memory_space<vmem>>)
      %dma_wait3A_328 = arith.constant 1 : i32
      %dma_wait3A_329 = arith.constant 3 : i32
      %dma_wait3A_330 = arith.constant 384 : i32
      %dma_wait3A_331 = arith.constant 0 : i32
      %dma_wait3A_332 = tpu.memref_slice %arg7[%dma_wait3A_330, %dma_wait3A_331] : memref<512x64xf32, #tpu.memory_space<vmem>> -> memref<128x64xf32, #tpu.memory_space<vmem>>
      %dma_wait3A_333 = arith.constant 0 : i32
      %dma_wait3A_334 = arith.constant 0 : i32
      %dma_wait3A_335 = tpu.memref_slice %arg5[%dma_wait3A_328, %dma_wait3A_333, %dma_wait3A_334] : memref<2x4x128xi32, #tpu.memory_space<vmem>> -> memref<1x4x128xi32, #tpu.memory_space<vmem>>
      %dma_wait3A_336 = tpu.memref_squeeze %dma_wait3A_335 : memref<1x4x128xi32, #tpu.memory_space<vmem>> -> memref<4x128xi32, #tpu.memory_space<vmem>>
      %dma_wait3A_337 = arith.constant 0 : i32
      %dma_wait3A_338 = tpu.memref_slice %dma_wait3A_336[%dma_wait3A_329, %dma_wait3A_337] : memref<4x128xi32, #tpu.memory_space<vmem>> -> memref<1x128xi32, #tpu.memory_space<vmem>>
      %dma_wait3A_339 = tpu.memref_squeeze %dma_wait3A_338 : memref<1x128xi32, #tpu.memory_space<vmem>> -> memref<128xi32, #tpu.memory_space<vmem>>
      %dma_wait3A_340 = arith.constant 0 : i32
      %dma_wait3A_341 = arith.constant 0 : i32
      %dma_wait3A_342 = tpu.memref_slice %arg8[%dma_wait3A_340, %dma_wait3A_341] : memref<10000x64xf32, #tpu.memory_space<vmem_shared>> -> memref<10000x64xf32, #tpu.memory_space<vmem_shared>>
      tpu.wait_indirect_dma semaphore(%arg9 : memref<!tpu.dma_semaphore, #tpu.memory_space<semaphore_mem>>) src(%dma_wait3A_342 : memref<10000x64xf32, #tpu.memory_space<vmem_shared>>) dst(%dma_wait3A_332 : memref<128x64xf32, #tpu.memory_space<vmem>>)
      %mul3A_343 = arith.constant 25600 : i32
      %mul3A_344 = arith.muli %add3A, %mul3A_343 : i32
      %mul3A_345 = arith.constant 512 : i32
      %mul3A_346 = arith.muli %add3A_195, %mul3A_345 : i32
      %add3A_347 = arith.addi %mul3A_344, %mul3A_346 : i32
      %dma_start3A_348 = arith.constant 0 : i32
      %dma_start3A_349 = tpu.memref_slice %arg4[%add3A_347, %dma_start3A_348] : memref<819200x64xf32, #tpu.memory_space<hbm>> -> memref<512x64xf32, #tpu.memory_space<hbm>>
      %dma_start3A_350 = arith.constant 0 : i32
      %dma_start3A_351 = tpu.memref_slice %arg4[%add3A_347, %dma_start3A_350] : memref<819200x64xf32, #tpu.memory_space<hbm>> -> memref<512x64xf32, #tpu.memory_space<hbm>>
      tpu.enqueue_dma source(%arg7 : memref<512x64xf32, #tpu.memory_space<vmem>>) target(%dma_start3A_351 : memref<512x64xf32, #tpu.memory_space<hbm>>) target_semaphore(%arg11 : memref<!tpu.dma_semaphore, #tpu.memory_space<semaphore_mem>>)
    }
    %scan3A_23 = arith.constant 25 : i32
    %dma_wait3A = arith.constant 0 : i32
    %dma_wait3A_24 = arith.constant 0 : i32
    %dma_wait3A_25 = tpu.memref_slice %arg4[%dma_wait3A, %dma_wait3A_24] : memref<819200x64xf32, #tpu.memory_space<hbm>> -> memref<512x64xf32, #tpu.memory_space<hbm>>
    %dma_wait3A_26 = arith.constant 0 : i32
    %dma_wait3A_27 = arith.constant 0 : i32
    %dma_wait3A_28 = tpu.memref_slice %arg4[%dma_wait3A_26, %dma_wait3A_27] : memref<819200x64xf32, #tpu.memory_space<hbm>> -> memref<512x64xf32, #tpu.memory_space<hbm>>
    tpu.wait_dma2 semaphore(%arg10 : memref<!tpu.dma_semaphore, #tpu.memory_space<semaphore_mem>>) src(%arg6 : memref<512x64xf32, #tpu.memory_space<vmem>>) dst(%dma_wait3A_28 : memref<512x64xf32, #tpu.memory_space<hbm>>)
    %dma_wait3A_29 = arith.constant 0 : i32
    %dma_wait3A_30 = arith.constant 0 : i32
    %dma_wait3A_31 = tpu.memref_slice %arg4[%dma_wait3A_29, %dma_wait3A_30] : memref<819200x64xf32, #tpu.memory_space<hbm>> -> memref<512x64xf32, #tpu.memory_space<hbm>>
    %dma_wait3A_32 = arith.constant 0 : i32
    %dma_wait3A_33 = arith.constant 0 : i32
    %dma_wait3A_34 = tpu.memref_slice %arg4[%dma_wait3A_32, %dma_wait3A_33] : memref<819200x64xf32, #tpu.memory_space<hbm>> -> memref<512x64xf32, #tpu.memory_space<hbm>>
    tpu.wait_dma2 semaphore(%arg11 : memref<!tpu.dma_semaphore, #tpu.memory_space<semaphore_mem>>) src(%arg7 : memref<512x64xf32, #tpu.memory_space<vmem>>) dst(%dma_wait3A_34 : memref<512x64xf32, #tpu.memory_space<hbm>>)
    return
  }
}

</mosaic_0001>

<sc_bundles>
// kernel: kernel.3.cloned.1.call-start
scs
__scs_entry_jumppad:
0x0: {  	(pc) =	sbr.rel $0x88, $3  }
0x1: {  	(tag) =	ssettag $0x0;
	lr =	simm.s32 $0x1  }
0x2: {  	[smem:$0x3F9F] =	sst lr;
	_ =	strace $0xD0000000  }
0x3: {  	_ = 	snop  }
0x4: {  	_ = 	snop  }
0x5: {  	_ = 	snop  }
0x6: {  	_ = 	snop  }
0x7: {  	_ = 	snop  }
__scs_overlays_trampoline_lowered:
0x8: {  	[smem:$0x3FAE] =	sst s0  }
0x9: {  	[smem:$0x3FAF] =	sst s1  }
0xa: {  	[smem:$0x3FB0] =	sst s2  }
0xb: {  	[smem:$0x3FB1] =	sst s3  }
0xc: {  	[smem:$0x3FB2] =	sst s4  }
0xd: {  	[smem:$0x3FB3] =	sst s5  }
0xe: {  	[smem:$0x3FB4] =	sst s6  }
0xf: {  	[smem:$0x3FB5] =	sst s7  }
0x10: {  	[smem:$0x3FB6] =	sst s8  }
0x11: {  	[smem:$0x3FB7] =	sst s9;
	s0 =	simm.s32 @!p0 $0x0  }
0x12: {  	s1 =	sld [smem:$0x3F9D];
	s0 =	simm.s32 @p0 $0x1  }
0x13: {  	[smem:$0x3FB8] =	sst s0;
	s0 =	simm.s32 @!p1 $0x0  }
0x14: {  	s2 =	sld [smem:$0x3F9C];
	s0 =	simm.s32 @p1 $0x1  }
0x15: {  	[smem:$0x3FB9] =	sst s0;
	s0 =	simm.s32 @!p2 $0x0  }
0x16: {  	s3 =	sld [smem:$0x3FDB];
	s0 =	simm.s32 @p2 $0x1  }
0x17: {  	s4 =	simm.s32 $0x1BF5;
	[smem:$0x3FBB] =	sst s0  }
0x18: {  	s0 =	sld [smem:$0x3F9E];
	_ =	swait.ge [sflag:s4], $0x0  }
0x19: {  	s7 =	sld [smem:$0x3F9F]  }
0x1a: {  	s8 =	sadd.s32 $0xFFFFE003, lr  }
0x1b: {  	s9 =	sadd.s32 $0xFFFFFEF7, lr;
	s5 =	simm.s32 $0xFFFFFFFF;
	p2 =	slt.u32 s8, $0xFFFFF086  }
0x1c: {  	p1 =	slt.u32 s9, $0xF7A;
	s5 =	simm.s32 @!p2 $0x0  }
0x1d: {  	s5 =	simm.s32 @p1 $0x1;
	p0 =	seq.s32 s7, s2  }
0x1e: {  	s7 =	smul.u32 @!p0 $0xF7A, s2;
	p2 =	seq.s32 @!p0 s5, $0x0  }
0x1f: {  	s9 =	smul.u32 $0xF7A, s1;
	s8 =	simm.s32 @!p0 $0x1BF5;
	p2 =	por !p2, p0  }
0x20: {  	[sflag:s8] =	ssyncset.s32 @!p0 $0xFFFFF086;
	s6 =	sadd.s32 @!p0 s3, s7;
	s7 =	simm.s32 @!p0 $0x108  }
0x21: {  	s3 =	sadd.s32 s3, s9;
	s6 =	sadd.s32 @!p0 $0x88, s6;
	s7 =	simm.s32 @p2 $0x1082  }
0x22: {  	[simem:s7], [sflag:s8] =	dma.local @!p0 [hbm:s6], $0xF7A  }
0x23: {  	s9 =	sor.u32 $0xD0000000, s2;
	s6 =	simm.s32 $0x108;
	_ =	swait.ge @!p0 [sflag:s8], $0x0  }
0x24: {  	s3 =	sadd.s32 $0x88, s3;
	s6 =	simm.s32 @!p1 $0x1082;
	[sflag:s4] =	ssyncset.s32 $0xFFFFF086  }
0x25: {  	[simem:s6], [sflag:s4] =	dma.local [hbm:s3], $0xF7A  }
0x26: {  	[smem:$0x3F9F] =	sst s1;
	(tag) =	ssettag s2;
	_ =	strace s9  }
0x27: {  	s1 =	sld [smem:$0x3FAF]  }
0x28: {  	s2 =	sld [smem:$0x3FB0]  }
0x29: {  	s4 =	sld [smem:$0x3FB2]  }
0x2a: {  	p0 =	seq.s32 s5, $0x0;
	s5 =	sld [smem:$0x3FB3]  }
0x2b: {  	s6 =	sld [smem:$0x3FB4]  }
0x2c: {  	s7 =	sld [smem:$0x3FB5]  }
0x2d: {  	s3 =	simm.s32 $0x108;
	s8 =	sld [smem:$0x3FB6]  }
0x2e: {  	s3 =	simm.s32 @!p0 $0x1082;
	s9 =	sld [smem:$0x3FB7]  }
0x2f: {  	lr =	sadd.s32 s0, s3;
	s0 =	sld [smem:$0x3FAE]  }
0x30: {  	s3 =	sld [smem:$0x3FB1]  }
0x31: {  	[smem:$0x3FBA] =	sst s10  }
0x32: {  	s10 =	sld [smem:$0x3FB8];
	_ =	sdelay $0x3  }
0x33: {  	p0 =	seq.s32 s10, $0x1;
	s10 =	sld [smem:$0x3FBA];
	_ =	sdelay $0x3  }
0x34: {  	[smem:$0x3FBA] =	sst s10  }
0x35: {  	s10 =	sld [smem:$0x3FB9];
	_ =	sdelay $0x3  }
0x36: {  	p1 =	seq.s32 s10, $0x1;
	s10 =	sld [smem:$0x3FBA];
	_ =	sdelay $0x3  }
0x37: {  	[smem:$0x3FBA] =	sst s10  }
0x38: {  	s10 =	sld [smem:$0x3FBB]  }
0x39: {  	_ = 	snop;
	(pc) =	sbr.ind lr, $3  }
0x3a: {  	_ = 	snop  }
0x3b: {  	_ = 	snop  }
0x3c: {  	p2 =	seq.s32 s10, $0x1;
	s10 =	sld [smem:$0x3FBA]  }
0x3d: {  	_ =	shalt  }
0x3e: {  	_ =	shalt  }
0x3f: {  	_ =	shalt  }
0x40: {  	_ =	shalt  }
0x41: {  	_ =	shalt  }
0x42: {  	_ =	shalt  }
0x43: {  	_ =	shalt  }
0x44: {  	_ =	shalt  }
0x45: {  	_ =	shalt  }
0x46: {  	_ =	shalt  }
0x47: {  	_ =	shalt  }
0x48: {  	_ =	shalt  }
0x49: {  	_ =	shalt  }
0x4a: {  	_ =	shalt  }
0x4b: {  	_ =	shalt  }
0x4c: {  	_ =	shalt  }
0x4d: {  	_ =	shalt  }
0x4e: {  	_ =	shalt  }
0x4f: {  	_ =	shalt  }
0x50: {  	_ =	shalt  }
0x51: {  	_ =	shalt  }
0x52: {  	_ =	shalt  }
0x53: {  	_ =	shalt  }
0x54: {  	_ =	shalt  }
0x55: {  	_ =	shalt  }
0x56: {  	_ =	shalt  }
0x57: {  	_ =	shalt  }
0x58: {  	_ =	shalt  }
0x59: {  	_ =	shalt  }
0x5a: {  	_ =	shalt  }
0x5b: {  	_ =	shalt  }
0x5c: {  	_ =	shalt  }
0x5d: {  	_ =	shalt  }
0x5e: {  	_ =	shalt  }
0x5f: {  	_ =	shalt  }
0x60: {  	_ =	shalt  }
0x61: {  	_ =	shalt  }
0x62: {  	_ =	shalt  }
0x63: {  	_ =	shalt  }
0x64: {  	_ =	shalt  }
0x65: {  	_ =	shalt  }
0x66: {  	_ =	shalt  }
0x67: {  	_ =	shalt  }
0x68: {  	_ =	shalt  }
0x69: {  	_ =	shalt  }
0x6a: {  	_ =	shalt  }
0x6b: {  	_ =	shalt  }
0x6c: {  	_ =	shalt  }
0x6d: {  	_ =	shalt  }
0x6e: {  	_ =	shalt  }
0x6f: {  	_ =	shalt  }
0x70: {  	_ =	shalt  }
0x71: {  	_ =	shalt  }
0x72: {  	_ =	shalt  }
0x73: {  	_ =	shalt  }
0x74: {  	_ =	shalt  }
0x75: {  	_ =	shalt  }
0x76: {  	_ =	shalt  }
0x77: {  	_ =	shalt  }
0x78: {  	_ =	shalt  }
0x79: {  	_ =	shalt  }
0x7a: {  	_ =	shalt  }
0x7b: {  	_ =	shalt  }
0x7c: {  	_ =	shalt  }
0x7d: {  	_ =	shalt  }
0x7e: {  	_ =	shalt  }
0x7f: {  	_ =	shalt  }
0x80: {  	_ =	shalt  }
0x81: {  	_ =	shalt  }
0x82: {  	_ =	shalt  }
0x83: {  	_ =	shalt  }
0x84: {  	_ =	shalt  }
0x85: {  	_ =	shalt  }
0x86: {  	_ =	shalt  }
0x87: {  	_ =	shalt  }
.Lfunc_end0:
.L_simem_size_0:
called_computation.1_lowered:
.L_overlay_start_0:
0x88: {  	s2 =	sld [smem:$0x3FD9]  }
0x89: {  	s3 =	sld [smem:$0x3FFE];
	_ =	sdelay $0x1  }
0x8a: {  	s1 =	srdreg.scid  }
0x8b: {  	s0 =	sand.u32 $0x1, s1  }
0x8c: {  	s17 =	sshll.u32 s0, $0xA;
	s2 =	sadd.s32 s3, s2  }
0x8d: {  	s2 =	sadd.s32 s2, s17  }
0x8e: {  	[smem:$0x3FC6] =	sst s2  }
0x8f: {  	_ = 	snop  }
0x90: {  	s2 =	sld [smem:$0x3FD0];
	(tm) =	ssettm $0x1  }
0x91: {  	s18 =	sld [smem:$0x3FFB];
	_ =	sdelay $0x3  }
0x92: {  	_ =	strace s18  }
0x93: {  	s3 =	sld [smem:$0x3FFC];
	_ =	sdelay $0x3  }
0x94: {  	_ =	strace s3  }
0x95: {  	s3 =	sld [smem:$0x3FFD];
	_ =	sdelay $0x3  }
0x96: {  	_ =	strace s3  }
0x97: {  	_ =	strace $0x8FFFFFFF  }
0x98: {  	s19 =	sld [smem:$0x3FDB];
	_ =	sdelay $0x1  }
0x99: {  	s4 =	simm.s32 $_scs_section_size  }
0x9a: {  	s5 =	simm.s32 $_size__tile_overlayer_lowered;
	s6 =	simm.s32 $_tile_overlayer_lowered  }
0x9b: {  	s22 =	simm.s32 $0x1BFF;
	s21 =	sshll.u32 s6, $0x1;
	s3 =	sadd.s32 s4, s19  }
0x9c: {  	s7 =	simm.s32 $0x0;
	s20 =	sshll.u32 s5, $0x1;
	s5 =	sadd.s32 s21, s3  }
0x9d: {  	[timem:s7], [sflag:s22] =	dma.local [hbm:s5], s20  }
0x9e: {  	_ =	swait.ge [sflag:s22], s20  }
0x9f: {  	s4 =	ssub.s32 $0x0, s20;
	[sflag:s22] =	ssyncset.done $0x0  }
0xa0: {  	[sflag:s22] =	ssyncadd.s32 s4;
	_ =	sdelay $0x1  }
0xa1: {  	s23 =	simm.s32 $0x1B8B  }
0xa2: {  	_ =	swait.ge [sflag:s23], $0x1  }
0xa3: {  	[sflag:s23] =	ssyncset.done $0x0  }
0xa4: {  	s25 =	simm.s32 $0x1B8E;
	s24 =	sld [smem:$0x3FFE];
	[sflag:s23] =	ssyncadd.s32 $0xFFFFFFFF  }
0xa5: {  	s26 =	simm.s32 $execute0_lowered;
	[smem:$0x3FD2] =	sst s25  }
0xa6: {  	s5 =	sshll.u32 s26, $0x1;
	_ =	strace $0x80000046;
	[dreg:$0x1] =	wrdreg $0xFFFFFFFF  }
0xa7: {  	s28 =	simm.s32 $_size_execute0_lowered;
	s3 =	sadd.s32 s3, s5;
	[dreg:$0x0] =	wrdreg $0x0  }
0xa8: {  	s5 =	sshll.u32 s28, $0x1;
	[dreg:$0x2] =	wrdreg s3  }
0xa9: {  	[dreg:$0x3] =	wrdreg s5  }
0xaa: {  	[dreg:$0x4] =	wrdreg $0xC0  }
0xab: {  	_ =	task [dreg:s7], $0x5FFFF  }
0xac: {  	[dreg:$0x1] =	wrdreg $0xFFFFFFFF  }
0xad: {  	[dreg:$0x0] =	wrdreg $0x60  }
0xae: {  	[dreg:$0x2] =	wrdreg s24  }
0xaf: {  	[dreg:$0x3] =	wrdreg s2  }
0xb0: {  	[dreg:$0x4] =	wrdreg $0x104000  }
0xb1: {  	[dreg:$0x5] =	wrdreg $0x9  }
0xb2: {  	_ =	task.clear_ibuf [dreg:s7], $0x6FFFF;
	_ =	strace $0x90000046  }
0xb3: {  	s29 =	simm.s32 $0x9;
	_ =	strace $0x80000048  }
0xb4: {  	_ =	swait.ge [sflag:s29], $0x1  }
0xb5: {  	[sflag:s29] =	ssyncadd.s32 $0xFFFFFFFF  }
0xb6: {  	_ =	strace $0x90000048  }
0xb7: {  	_ =	sfence  }
0xb8: {  	s30 =	sld [smem:$0x0];
	_ =	sdelay $0x2  }
0xb9: {  	s31 =	sshll.u32 s1, $0xD;
	s1 =	sshrl.u32 s1, $0x2  }
0xba: {  	s3 =	sand.u32 $0x4000, s31;
	s1 =	sadd.s32 s1, s30  }
0xbb: {  	s0 =	sor.u32 s3, s0;
	s1 =	sshll.u32 s1, $0x11  }
0xbc: {  	s0 =	sor.u32 s1, s0  }
0xbd: {  	s0 =	sadd.s32 $0x8F2B, s0  }
0xbe: {  	[sflag:s0] =	ssyncadd.remote.s32 $0x1  }
0xbf: {  	_ =	sfence.sel $0xFFFF  }
0xc0: {  	[dreg:$0x0] =	wrdreg $0xFFFFFFFF;
	(pc) =	sbr.abs _section_cstart, $3  }
0xc1: {  	[dreg:$0x1] =	wrdreg $0xFFFFFFFF  }
0xc2: {  	_ =	task.clear_ibuf [dreg:s7], $0x2FFFF;
	_ =	strace $0x9FFFFFFF  }
0xc3: {  	(tm) =	ssettm $0x7FFFFFFF  }
tec
execute0_lowered:
.L_overlay_start_1:
0x0: {  	(tag) =	ssettag $0x1  }
0x1: {  	s0 =	rddreg [dreg:$0x0]  }
0x2: {  	s1 =	rddreg [dreg:$0x1]  }
0x3: {  	s2 =	rddreg [dreg:$0x2]  }
0x4: {  	s13 =	stileid.u32;
	s3 =	srdreg.scid;
	s15 =	simm.s32 $0x4  }
0x5: {  	s16 =	simm.s32 $0x200;
	s17 =	simm.s32 $0x80;
	s28 =	simm.s32 $0x280  }
0x6: {  	s29 =	simm.s32 $0xA400;
	s30 =	simm.s32 $0x300;
	s6 =	smul.u32 $0x9C40, s13  }
0x7: {  	s31 =	simm.s32 $0xC400;
	s5 =	sand.u32 $0x1, s3;
	s8 =	smul.u32 $0xC800, s13  }
0x8: {  	s4 =	sshll.u32 s13, $0x1;
	s3 =	simm.s32 $0x0;
	s12 =	smul.u32 $0x320000, s13  }
0x9: {  	s19 =	sshll.u32 s13, $0x6;
	s4 =	sor.u32 s5, s4;
	s11 =	smul.u32 $0x6400, s5  }
0xa: {  	[smem:$0x7FF] =	sst s3;
	s10 =	ssub.s32 $0x2, s5;
	s5 =	smul.u32 $0x190000, s5  }
0xb: {  	s20 =	sor.u32 $0x1C06, s19;
	s19 =	simm.s32 $0x2400;
	s7 =	smul.u32 $0xC80, s4  }
0xc: {  	_ =	strace $0x80000047;
	s4 =	sadd.s32 $0x14400, s0;
	s9 =	sshrl.u32 s6, $0x3  }
0xd: {  	s18 =	sshrl.u32 s10, $0x1;
	s6 =	sadd.s32 s6, s2;
	[dreg:$0x5] =	wrdreg s20  }
0xe: {  	s20 =	simm.s32 $0x100;
	s0 =	sadd.s32 s9, s0;
	s9 =	ssub.s32 s10, s18  }
0xf: {  	s22 =	sadd.s32 s11, s8;
	s5 =	sadd.s32 s5, s12;
	s26 =	sshrl.u32 s6, $0x3  }
0x10: {  	s18 =	simm.s32 $0x400;
	s0 =	sadd.s32 $0xA00, s0;
	[dreg:$0xa] =	wrdreg s26  }
0x11: {  	s6 =	simm.s32 $0x3;
	s21 =	sadd.s32 s4, s7;
	[dreg:$0x4] =	wrdreg s0  }
0x12: {  	s23 =	smax.u32 s9, $0x1;
	s24 =	sadd.s32 $0x400, s22;
	[dreg:$0x6] =	wrdreg s21  }
0x13: {  	s25 =	sor.u32 $0x8000, s5;
	s5 =	sshrl.u32 s5, $0x3;
	[dreg:$0x7] =	wrdreg s23  }
0x14: {  	s26 =	simm.s32 $0x8400;
	[dreg:$0x8] =	wrdreg s24;
	s7 =	sshrl.u32 s25, $0x3  }
0x15: {  	s0 =	sor.u32 $0x200, s22;
	s10 =	sadd.s32 s5, s1;
	s21 =	simm.s32 $0x4400  }
0x16: {  	s22 =	simm.s32 $0x180;
	s23 =	simm.s32 $0x6400;
	s24 =	simm.s32 $0x1  }
0x17: {  	s25 =	simm.s32 $0x5;
	s5 =	simm.s32 $0x2;
	s0 =	sshrl.u32 s0, $0x3  }
0x18: {  	s11 =	sadd.s32 s7, s1;
	s1 =	simm.s32 $0xE400;
	s0 =	sadd.s32 s0, s4  }
0x19: {  	s7 =	simm.s32 $0x0;
	[dreg:$0x9] =	wrdreg s0;
	s0 =	simm.s32 $0x380  }
.LBB2_1:
0x1a: {  	s8 =	rddreg [dreg:$0x4]  }
0x1b: {  	s9 =	rddreg [dreg:$0x5]  }
0x1c: {  	s12 =	rddreg [dreg:$0xa];
	s13 =	simm.s32 $0x6  }
0x1d: {  	[spmem:s12], [sflag:s9] =	dma.local [hbm:s8], $0x1388  }
0x1e: {  	_ =	swait.ge [sflag:s13], $0x1388  }
0x1f: {  	[sflag:s13] =	ssyncset.done $0x0  }
0x20: {  	s14 =	rddreg [dreg:$0x6];
	[sflag:s13] =	ssyncadd.s32 $0xFFFFEC78  }
0x21: {  	[tilespmem:s3], [sflag:$0x4] =	stream.linear.gather [hbm4b:s14+s3], $0x200, $0x38;
	[tilespmem:$0x1A040] =	vst v63  }
0x22: {  	[bflag:$0x0] =	sbarrier.arrive $0xFFFF  }
0x23: {  	s12 =	rddreg [dreg:$0x9]  }
0x24: {  	s9 =	simm.s32 $0x0;
	s13 =	rddreg [dreg:$0x8]  }
.LBB2_2:
0x25: {  	_ =	swait.ge [sflag:s15], $0x200  }
0x26: {  	p0 =	seq.s32 s9, $0x0;
	[sflag:s15] =	ssyncset.done $0x0  }
0x27: {  	s8 =	simm.s32 @!p0 $0x2;
	[sflag:s15] =	ssyncadd.s32 $0xFFFFFE00  }
0x28: {  	[tilespmem:s16], [sflag:$0x5] =	stream.linear.gather [hbm4b:s12+s3], $0x200, $0x38;
	[tilespmem:$0x1A040] =	vst v63  }
0x29: {  	_ =	swait.ge @!p0 [sflag:s8], $0x8000  }
0x2a: {  	[sflag:s8] =	ssyncset.done @!p0 $0x0  }
0x2b: {  	[sflag:s8] =	ssyncadd.s32 @!p0 $0xFFFF8000  }
0x2c: {  	[tilespmem:s18], [sflag:$0x1] =	stream.indirect.gather [spmem:s2], $0x40, s3, s17, $0xb8;
	[tilespmem:$0x1A040] =	vst v63  }
0x2d: {  	_ = 	snop  }
0x2e: {  	[tilespmem:s19], [sflag:$0x1] =	stream.indirect.gather [spmem:s2], $0x40, s17, s17, $0xb8;
	[tilespmem:$0x1A040] =	vst v63  }
0x2f: {  	_ = 	snop  }
0x30: {  	[tilespmem:s21], [sflag:$0x1] =	stream.indirect.gather [spmem:s2], $0x40, s20, s17, $0xb8;
	[tilespmem:$0x1A040] =	vst v63  }
0x31: {  	_ = 	snop  }
0x32: {  	[tilespmem:s23], [sflag:$0x1] =	stream.indirect.gather [spmem:s2], $0x40, s22, s17, $0xb8;
	[tilespmem:$0x1A040] =	vst v63  }
0x33: {  	_ =	swait.ge [sflag:s24], $0x2000  }
0x34: {  	[sflag:s24] =	ssyncset.done $0x0  }
0x35: {  	[sflag:s24] =	ssyncadd.s32 $0xFFFFE000  }
0x36: {  	_ =	swait.ge [sflag:s24], $0x2000  }
0x37: {  	[sflag:s24] =	ssyncset.done $0x0  }
0x38: {  	[sflag:s24] =	ssyncadd.s32 $0xFFFFE000  }
0x39: {  	_ =	swait.ge [sflag:s24], $0x2000  }
0x3a: {  	[sflag:s24] =	ssyncset.done $0x0  }
0x3b: {  	[sflag:s24] =	ssyncadd.s32 $0xFFFFE000  }
0x3c: {  	_ =	swait.ge [sflag:s24], $0x2000  }
0x3d: {  	[sflag:s24] =	ssyncset.done $0x0  }
0x3e: {  	s14 =	sadd.s32 s9, s10;
	[sflag:s24] =	ssyncadd.s32 $0xFFFFE000  }
0x3f: {  	[hbm4b:s14+s3] =	stream.linear.scatter [tilespmem:s18], [sflag:$0x2], $0x8000, $0x38;
	[tilespmem:$0x1A040] =	vst v63  }
0x40: {  	p0 =	seq.s32 s9, $0x30000;
	_ =	swait.ge [sflag:s25], $0x200  }
0x41: {  	s8 =	sshrl.u32 @!p0 s13, $0x3;
	p1 =	seq.s32 @!p0 s9, $0x0;
	[sflag:s25] =	ssyncset.done $0x0  }
0x42: {  	s8 =	sadd.s32 @!p0 s4, s8;
	s14 =	simm.s32 @!p0 $0x0;
	[sflag:s25] =	ssyncadd.s32 $0xFFFFFE00  }
0x43: {  	[tilespmem:s14], [sflag:$0x4] =	stream.linear.gather @!p0 [hbm4b:s8+s14], $0x200, $0x38;
	[tilespmem:$0x1A040] =	vst v63  }
0x44: {  	p0 =	por p0, !p1  }
0x45: {  	_ =	swait.ge @p0 [sflag:s6], $0x8000  }
0x46: {  	[sflag:s6] =	ssyncset.done @p0 $0x0  }
0x47: {  	[sflag:s6] =	ssyncadd.s32 @p0 $0xFFFF8000  }
0x48: {  	[tilespmem:s26], [sflag:$0x1] =	stream.indirect.gather [spmem:s2], $0x40, s16, s17, $0xb8;
	[tilespmem:$0x1A040] =	vst v63  }
0x49: {  	_ = 	snop  }
0x4a: {  	[tilespmem:s29], [sflag:$0x1] =	stream.indirect.gather [spmem:s2], $0x40, s28, s17, $0xb8;
	[tilespmem:$0x1A040] =	vst v63  }
0x4b: {  	_ = 	snop  }
0x4c: {  	[tilespmem:s31], [sflag:$0x1] =	stream.indirect.gather [spmem:s2], $0x40, s30, s17, $0xb8;
	[tilespmem:$0x1A040] =	vst v63  }
0x4d: {  	_ = 	snop  }
0x4e: {  	[tilespmem:s1], [sflag:$0x1] =	stream.indirect.gather [spmem:s2], $0x40, s0, s17, $0xb8;
	[tilespmem:$0x1A040] =	vst v63  }
0x4f: {  	_ =	swait.ge [sflag:s24], $0x2000  }
0x50: {  	[sflag:s24] =	ssyncset.done $0x0  }
0x51: {  	[sflag:s24] =	ssyncadd.s32 $0xFFFFE000  }
0x52: {  	_ =	swait.ge [sflag:s24], $0x2000  }
0x53: {  	[sflag:s24] =	ssyncset.done $0x0  }
0x54: {  	[sflag:s24] =	ssyncadd.s32 $0xFFFFE000  }
0x55: {  	s14 =	sadd.s32 s9, s11;
	s9 =	sadd.s32 $0x2000, s9;
	_ =	swait.ge [sflag:s24], $0x2000  }
0x56: {  	p0 =	sne.s32 s9, $0x32000;
	[sflag:s24] =	ssyncset.done $0x0  }
.Ltmp0:
0x57: {  	[sflag:s24] =	ssyncadd.s32 $0xFFFFE000;
	(pc) =	sbr.rel @p0 .LBB2_2-.Ltmp0, $4  }
0x58: {  	_ =	swait.ge [sflag:s24], $0x2000  }
0x59: {  	[sflag:s24] =	ssyncset.done $0x0  }
0x5a: {  	s12 =	sadd.s32 $0x80, s12;
	s13 =	sadd.s32 $0x400, s13;
	[sflag:s24] =	ssyncadd.s32 $0xFFFFE000  }
0x5b: {  	[hbm4b:s14+s3] =	stream.linear.scatter [tilespmem:s26], [sflag:$0x3], $0x8000, $0x38;
	[tilespmem:$0x1A040] =	vst v63  }
0x5c: {  	_ =	swait.ge [sflag:s5], $0x8000  }
0x5d: {  	[sflag:s5] =	ssyncset.done $0x0  }
0x5e: {  	[sflag:s5] =	ssyncadd.s32 $0xFFFF8000  }
0x5f: {  	_ =	swait.ge [sflag:s6], $0x8000  }
0x60: {  	s7 =	sadd.s32 $0x1, s7;
	s8 =	rddreg [dreg:$0x7]  }
0x61: {  	p0 =	sne.s32 s7, s8  }
.Ltmp1:
0x62: {  	_ = 	snop;
	(pc) =	sbr.rel @p0 .LBB2_1-.Ltmp1, $3  }
0x63: {  	_ =	sdelay $0x1  }
0x64: {  	[sflag:s6] =	ssyncset.done $0x0  }
0x65: {  	[sflag:s6] =	ssyncadd.s32 $0xFFFF8000  }
0x66: {  	_ =	sfence.sel $0x180000  }
0x67: {  	[bflag:$0x0] =	sbarrier.arrive $0xFFFF  }
0x68: {  	_ =	strace $0x90000047  }
0x69: {  	s0 =	stileid.u32;
	[bflag:$0x2] =	sbarrier.arrive $0xFFFF  }
0x6a: {  	p0 =	sne.s32 s0, $0x0;
	s0 =	rddreg [dreg:$0x3]  }
0x6b: {  	s0 =	sadd.s32 @!p0 $0x100000, s0  }
0x6c: {  	[sflag:s0] =	ssyncadd.tile.s32 @!p0 $0x1;
	_ =	shalt  }
.Lfunc_end2:
_tile_overlayer_lowered:
.L_overlay_start_2:
0x6d: {  	(tag) =	ssettag $0x2  }
0x6e: {  	s0 =	rddreg [dreg:$0x0];
	s2 =	stileid.u32  }
0x6f: {  	s1 =	rddreg [dreg:$0x1];
	p0 =	sne.s32 s2, $0x0  }
0x70: {  	s3 =	rddreg [dreg:$0x2];
	[bflag:$0x3] =	sbarrier.arrive $0xFFFF;
	s2 =	simm.s32 @!p0 $0x1C06  }
0x71: {  	[timem:s3], [sflag:s2] =	dma.local @!p0 [hbm:s0], s1  }
0x72: {  	s0 =	simm.s32 @!p0 $0x6  }
0x73: {  	_ =	swait.ge @!p0 [sflag:s0], s1  }
0x74: {  	s1 =	ssub.s32 @!p0 $0x0, s1;
	[sflag:s0] =	ssyncset.done @!p0 $0x0  }
0x75: {  	[sflag:s0] =	ssyncadd.s32 @!p0 s1  }
0x76: {  	[bflag:$0x3] =	sbarrier.arrive $0xFFFF  }
0x77: {  	_ =	shalt  }

// kernel: sparse-core-data-format-call.cloned.1.call-start
scs
called_computation_lowered:
.L_overlay_start_0:
0x0: {  	s2 =	sld [smem:$0x3FD9]  }
0x1: {  	s3 =	sld [smem:$0x3FFE];
	_ =	sdelay $0x1  }
0x2: {  	s1 =	srdreg.scid  }
0x3: {  	s0 =	sand.u32 $0x1, s1  }
0x4: {  	s18 =	sshll.u32 s0, $0xA;
	s2 =	sadd.s32 s3, s2  }
0x5: {  	s2 =	sadd.s32 s2, s18  }
0x6: {  	[smem:$0x3FC6] =	sst s2  }
0x7: {  	_ = 	snop  }
0x8: {  	s2 =	sld [smem:$0x3FD0];
	(tm) =	ssettm $0x1  }
0x9: {  	s19 =	sld [smem:$0x3FFB];
	_ =	sdelay $0x3  }
0xa: {  	_ =	strace s19  }
0xb: {  	s3 =	sld [smem:$0x3FFC];
	_ =	sdelay $0x3  }
0xc: {  	_ =	strace s3  }
0xd: {  	s3 =	sld [smem:$0x3FFD];
	_ =	sdelay $0x3  }
0xe: {  	_ =	strace s3  }
0xf: {  	_ =	strace $0x8FFFFFFF  }
0x10: {  	s20 =	sld [smem:$0x3FDB];
	_ =	sdelay $0x1  }
0x11: {  	s4 =	simm.s32 $_scs_section_size  }
0x12: {  	s5 =	simm.s32 $_size__tile_overlayer_lowered;
	s6 =	simm.s32 $_tile_overlayer_lowered  }
0x13: {  	s23 =	simm.s32 $0x1BFF;
	s22 =	sshll.u32 s6, $0x1;
	s3 =	sadd.s32 s4, s20  }
0x14: {  	s7 =	simm.s32 $0x0;
	s21 =	sshll.u32 s5, $0x1;
	s5 =	sadd.s32 s22, s3  }
0x15: {  	[timem:s7], [sflag:s23] =	dma.local [hbm:s5], s21  }
0x16: {  	_ =	swait.ge [sflag:s23], s21  }
0x17: {  	s4 =	ssub.s32 $0x0, s21;
	[sflag:s23] =	ssyncset.done $0x0  }
0x18: {  	[sflag:s23] =	ssyncadd.s32 s4;
	_ =	sdelay $0x1  }
0x19: {  	s24 =	simm.s32 $0x1B8B  }
0x1a: {  	_ =	swait.ge [sflag:s24], $0x1  }
0x1b: {  	[sflag:s24] =	ssyncset.done $0x0  }
0x1c: {  	s26 =	simm.s32 $0x1B8E;
	s25 =	sld [smem:$0x3FFE];
	[sflag:s24] =	ssyncadd.s32 $0xFFFFFFFF  }
0x1d: {  	s27 =	simm.s32 $execute0_lowered;
	[smem:$0x3FD2] =	sst s26  }
0x1e: {  	s5 =	sshll.u32 s27, $0x1;
	_ =	strace $0x80000049;
	[dreg:$0x1] =	wrdreg $0xFFFFFFFF  }
0x1f: {  	s28 =	simm.s32 $_size_execute0_lowered;
	s3 =	sadd.s32 s3, s5;
	[dreg:$0x0] =	wrdreg $0x0  }
0x20: {  	s5 =	sshll.u32 s28, $0x1;
	[dreg:$0x2] =	wrdreg s3  }
0x21: {  	[dreg:$0x3] =	wrdreg s5  }
0x22: {  	[dreg:$0x4] =	wrdreg $0xC0  }
0x23: {  	_ =	task [dreg:s7], $0x5FFFF  }
0x24: {  	[dreg:$0x1] =	wrdreg $0xFFFFFFFF  }
0x25: {  	[dreg:$0x0] =	wrdreg $0x60  }
0x26: {  	[dreg:$0x2] =	wrdreg s25  }
0x27: {  	[dreg:$0x3] =	wrdreg s2  }
0x28: {  	[dreg:$0x4] =	wrdreg $0x9  }
0x29: {  	_ =	task.clear_ibuf [dreg:s7], $0x5FFFF;
	_ =	strace $0x90000049  }
0x2a: {  	s29 =	simm.s32 $0x9;
	_ =	strace $0x8000004B  }
0x2b: {  	_ =	swait.ge [sflag:s29], $0x1  }
0x2c: {  	[sflag:s29] =	ssyncadd.s32 $0xFFFFFFFF  }
0x2d: {  	_ =	strace $0x9000004B  }
0x2e: {  	_ =	sfence  }
0x2f: {  	s30 =	sld [smem:$0x0];
	_ =	sdelay $0x2  }
0x30: {  	s31 =	sshll.u32 s1, $0xD;
	s1 =	sshrl.u32 s1, $0x2  }
0x31: {  	s3 =	sand.u32 $0x4000, s31;
	s1 =	sadd.s32 s1, s30  }
0x32: {  	s0 =	sor.u32 s3, s0;
	s1 =	sshll.u32 s1, $0x11  }
0x33: {  	s0 =	sor.u32 s1, s0  }
0x34: {  	s0 =	sadd.s32 $0x8F2B, s0  }
0x35: {  	[sflag:s0] =	ssyncadd.remote.s32 $0x1  }
0x36: {  	_ =	sfence.sel $0xFFFF  }
0x37: {  	[dreg:$0x0] =	wrdreg $0xFFFFFFFF;
	(pc) =	sbr.abs _section_cstart, $3  }
0x38: {  	[dreg:$0x1] =	wrdreg $0xFFFFFFFF  }
0x39: {  	_ =	task.clear_ibuf [dreg:s7], $0x2FFFF;
	_ =	strace $0x9FFFFFFF  }
0x3a: {  	(tm) =	ssettm $0x7FFFFFFF  }
0x3b: {  	_ =	shalt  }
tec
execute0_lowered:
.L_overlay_start_1:
0x0: {  	(tag) =	ssettag $0x1  }
0x1: {  	s0 =	srdreg.scid  }
0x2: {  	s1 =	sshll.u32 s0, $0x4  }
0x3: {  	s0 =	stileid.u32;
	s1 =	sand.u32 $0x10, s1  }
0x4: {  	s1 =	sor.u32 s0, s1  }
0x5: {  	s6 =	rddreg [dreg:$0x0];
	s4 =	simm.s32 $0x1;
	s2 =	sshll.u32 s1, $0x7  }
0x6: {  	s7 =	simm.s32 $0x2;
	s12 =	simm.s32 $0x0;
	s1 =	ssub.s32 $0x4000, s2  }
0x7: {  	s8 =	simm.s32 $0x20000;
	s13 =	simm.s32 $0x0;
	s3 =	sand.u32 $0xF80, s1  }
0x8: {  	s9 =	simm.s32 $0x0;
	s5 =	sshrl.u32 s1, $0xC;
	p0 =	sne.s32 s3, $0x0  }
.Ltmp0:
0x9: {  	s1 =	rddreg [dreg:$0x2];
	s4 =	simm.s32 @!p0 $0x0;
	(pc) =	sbr.rel .LBB1_1-.Ltmp0, $4  }
0xa: {  	s11 =	simm.s32 $0x0;
	s3 =	rddreg [dreg:$0x1];
	s5 =	sadd.s32 s4, s5  }
0xb: {  	_ =	strace $0x8000004A;
	s4 =	simm.s32 $0x1;
	s5 =	smul.u32 $0x32, s5  }
0xc: {  	s6 =	sadd.s32 $0xA00, s6;
	s10 =	smov.u32 s2;
	[sflag:s4] =	ssyncpa.u1 $0x0  }
0xd: {  	p0 =	por $0x0, $0x0;
	[sflag:s7] =	ssyncpa.u1 $0x0;
	s7 =	sor.u32 $0x1, s5  }
.LBB1_4:
0xe: {  	s16 =	sshll.u32 s13, $0x3;
	s17 =	sand.u32 $0x78, s13  }
0xf: {  	s30 =	sand.u32 $0x1F800, s13;
	s12 =	sshll.u32 s12, $0x11;
	s16 =	sand.u32 $0x3C00, s16  }
0x10: {  	[tilespmem:s15+$0x810 ss:$0x81] =	vst.msk $0xffff, v2;
	s31 =	sand.u32 $0x7, s13;
	s16 =	sor.u32 s17, s16;
	s17 =	sadd.s32 s3, s30  }
0x11: {  	[tilespmem:s15+$0x1020 ss:$0x81] =	vst.msk $0xffff, v0;
	s13 =	sshll.u32 s31, $0x12;
	s12 =	sadd.s32 s12, s17;
	s16 =	sshrl.u32 s16, $0x3  }
0x12: {  	[tilespmem:s15+$0x0 ss:$0x81] =	vst.msk $0xffff, v1;
	s13 =	sor.u32 $0x400, s13;
	s12 =	sadd.s32 s16, s12  }
0x13: {  	[hbm4b:s12+s13] =	stream.strided.scatter [tilespmem:s14], [sflag:$0x2], $0x2000, s8, s13, $0x20;
	[tilespmem:$0x8080] =	vst v63  }
.LBB1_5:
0x14: {  	s14 =	sadd.s32 $0x1, s9  }
0x15: {  	s12 =	sadd.s32 $0x1000, s10;
	s16 =	smov.u32 s10;
	p2 =	sgt.s32 s14, $0x31  }
0x16: {  	s16 =	smov.u32 @p2 s12  }
0x17: {  	s14 =	simm.s32 @p2 $0x0;
	p2 =	sgt.s32 s16, $0x3FFF  }
0x18: {  	s16 =	smov.u32 @p2 s2;
	p2 =	sne.s32 s11, s7  }
.Ltmp1:
0x19: {  	p1 =	slt.u32 s11, $0x2;
	(pc) =	sbr.rel @!p2 .LBB1_6-.Ltmp1, $4  }
0x1a: {  	s15 =	simm.s32 @!p1 $0x2  }
0x1b: {  	s13 =	smov.u32 s10;
	p0 =	por !p0, !p0;
	_ =	swait.ge @!p1 [sflag:s15], $0x2000  }
0x1c: {  	s12 =	smov.u32 s9;
	[sflag:s15] =	ssyncset.done @!p1 $0x0;
	s9 =	smov.u32 s14  }
0x1d: {  	s11 =	sadd.s32 $0x1, s11;
	[sflag:s15] =	ssyncadd.s32 @!p1 $0xFFFFE000;
	s10 =	smov.u32 s16  }
.LBB1_1:
0x1e: {  	p1 =	sge.u32 s11, s5  }
0x1f: {  	s14 =	sand.u32 @!p1 $0x1FFFFFF, s9  }
0x20: {  	s15 =	smulhi.u32 @!p1 $0x4924925, s14;
	_ =	sdelay $0x1  }
0x21: {  	s15 =	smul.u32 @!p1 $0x38, s15  }
0x22: {  	s16 =	sxor.u32 @!p1 $0xFFFFFFFF, s11;
	s17 =	smul.u32 @!p1 $0x380, s10  }
0x23: {  	s31 =	sadd.s32 $0xFFFFFFFF, s11;
	s16 =	sshll.u32 @!p1 s16, $0xD;
	s14 =	ssub.s32 @!p1 s14, s15  }
0x24: {  	s15 =	sand.u32 @!p1 $0x2000, s16;
	s16 =	sadd.s32 @!p1 s6, s17;
	s14 =	sshll.u32 @!p1 s14, $0x4  }
0x25: {  	s17 =	simm.s32 @!p1 $0x1C00;
	s14 =	sadd.s32 @!p1 s14, s16;
	s16 =	simm.s32 @!p1 $0x40  }
0x26: {  	[tilespmem:s15], [sflag:$0x1] =	stream.strided.gather @!p1 [hbm4b:s14+s16], $0x2000, s17, s16, $0x38;
	[tilespmem:$0x8080] =	vst v63  }
0x27: {  	p1 =	sge.u32 s31, s5  }
.Ltmp2:
0x28: {  	_ = 	snop;
	(pc) =	sbr.rel @p1 .LBB1_5-.Ltmp2, $1  }
0x29: {  	_ =	sdelay $0x3  }
0x2a: {  	s14 =	simm.s32 $0x1  }
0x2b: {  	_ =	swait.ge [sflag:s4], $0x2000;
	s14 =	simm.s32 @!p0 $0x0  }
0x2c: {  	[sflag:s4] =	ssyncset.done $0x0;
	s15 =	sshll.u32 s14, $0xD  }
0x2d: {  	[sflag:s4] =	ssyncadd.s32 $0xFFFFE000;
	s18 =	sor.u32 $0x20, s15  }
0x2e: {  	s14 =	smul.u32 $0x8100, s14;
	v3 =	vld [tilespmem:s18+$0x10]  }
0x2f: {  	s30 =	sand.u32 $0x1, s11;
	v2 =	vld [tilespmem:s18+$0xFFFFFFF0]  }
0x30: {  	s15 =	smul.u32 $0x8100, s30;
	s14 =	sshrl.u32 s14, $0x2;
	v0 =	vld [tilespmem:s18+$0x0]  }
0x31: {  	v1 =	vld [tilespmem:s18+$0xFFFFFFE0];
	s16 =	sor.u32 $0x4000, s14  }
0x32: {  	s31 =	sshrl.u32 s15, $0x2;
	s15 =	sadd.s32 $0x0, s16  }
0x33: {  	s17 =	simm.s32 $0x4;
	s18 =	sadd.s32 $0x40, s18;
	s14 =	sor.u32 $0x4000, s31;
	[tilespmem:s15+$0x1830 ss:$0x81] =	vst.msk $0xffff, v3  }
.LBB1_3:
0x34: {  	v3 =	vld [tilespmem:s18+$0x10];
	p1 =	sne.s32 s17, $0x1FC;
	[tilespmem:s15+$0x810 ss:$0x81] =	vst.msk $0xffff, v2;
	s19 =	smov.u32 s17;
	s17 =	sadd.s32 $0x4, s17  }
.Ltmp3:
0x35: {  	v2 =	vld [tilespmem:s18+$0xFFFFFFF0];
	[tilespmem:s15+$0x1020 ss:$0x81] =	vst.msk $0xffff, v0;
	(pc) =	sbr.rel @p1 .LBB1_3-.Ltmp3, $4  }
0x36: {  	v0 =	vld [tilespmem:s18+$0x0];
	[tilespmem:s15+$0x0 ss:$0x81] =	vst.msk $0xffff, v1  }
0x37: {  	s15 =	sshra.s32 s19, $0x2;
	v1 =	vld [tilespmem:s18+$0xFFFFFFE0]  }
0x38: {  	s15 =	sadd.s32 s15, s16  }
0x39: {  	s18 =	sadd.s32 $0x40, s18;
	[tilespmem:s15+$0x1830 ss:$0x81] =	vst.msk $0xffff, v3  }
.Ltmp4:
0x3a: {  	_ = 	snop;
	(pc) =	sbr.rel .LBB1_4-.Ltmp4, $1  }
0x3b: {  	_ =	sdelay $0x3  }
.LBB1_6:
0x3c: {  	_ =	sfence.sel $0x180000  }
0x3d: {  	s2 =	simm.s32 $0x1;
	[bflag:$0x0] =	sbarrier.arrive $0xFFFF  }
0x3e: {  	s31 =	simm.s32 $0x2;
	[sflag:s2] =	ssyncpa.u1 $0x1  }
0x3f: {  	[sflag:s31] =	ssyncpa.u1 $0x1  }
0x40: {  	p0 =	sne.s32 s0, $0x0;
	_ =	strace $0x9000004A  }
0x41: {  	s0 =	sadd.s32 @!p0 $0x100000, s1;
	[bflag:$0x2] =	sbarrier.arrive $0xFFFF  }
0x42: {  	[sflag:s0] =	ssyncadd.tile.s32 @!p0 $0x1;
	_ =	shalt  }
.Lfunc_end1:
_tile_overlayer_lowered:
.L_overlay_start_2:
0x43: {  	(tag) =	ssettag $0x2  }
0x44: {  	s0 =	rddreg [dreg:$0x0];
	s2 =	stileid.u32  }
0x45: {  	s1 =	rddreg [dreg:$0x1];
	p0 =	sne.s32 s2, $0x0  }
0x46: {  	s3 =	rddreg [dreg:$0x2];
	[bflag:$0x3] =	sbarrier.arrive $0xFFFF;
	s2 =	simm.s32 @!p0 $0x1C01  }
0x47: {  	[timem:s3], [sflag:s2] =	dma.local @!p0 [hbm:s0], s1  }
0x48: {  	s0 =	simm.s32 @!p0 $0x1  }
0x49: {  	_ =	swait.ge @!p0 [sflag:s0], s1  }
0x4a: {  	s1 =	ssub.s32 @!p0 $0x0, s1;
	[sflag:s0] =	ssyncset.done @!p0 $0x0  }
0x4b: {  	[sflag:s0] =	ssyncadd.s32 @!p0 s1  }
0x4c: {  	[bflag:$0x3] =	sbarrier.arrive $0xFFFF  }
0x4d: {  	_ =	shalt  }

</sc_bundles>
